<compile_context>
chip_gen: v7x
topology: tpu7x:2x2x1
jax: 0.10.2.dev20260603
libtpu: 0.0.44.dev20260713+nightly
codegen_flags: <defaults>
</compile_context>

<pallas_src>
import functools

import jax
import jax.numpy as jnp
from jax import lax
from jax.experimental import pallas as pl
from jax.experimental.pallas import tpu as pltpu
from jax.experimental.pallas import tpu_sc as plsc

VOCAB = 1000000
D = 64
B = 16384
P = 20
N = 20
S = P + N

NC = 2
NS = 16
NW = NC * NS
BPW = B // NW

C = 16
NCHUNK = BPW // C
IDX_ROWS = C * S // 128

_mesh = plsc.VectorSubcoreMesh(core_axis_name="c", subcore_axis_name="s")


def _sc_logits_body(x_hbm, samp_hbm, emb_hbm, w_hbm, pos_hbm, neg_hbm,
                    xidx_v, sidx_v, emb_v, rows_v, pos_v, neg_v, sem1, sem2):
    wid = lax.axis_index("s") * NC + lax.axis_index("c")
    base = wid * BPW

    def chunk_body(i, _):
        b0 = base + i * C
        pltpu.sync_copy(x_hbm.at[pl.ds(b0, C)], xidx_v)
        pltpu.sync_copy(samp_hbm.at[pl.ds(b0 * S, C * S)], sidx_v)
        cp_e = pltpu.async_copy(emb_hbm.at[xidx_v], emb_v, sem1)
        for k in range(IDX_ROWS):
            pltpu.async_copy(
                w_hbm.at[sidx_v.at[pl.ds(k * 128, 128)]],
                rows_v.at[pl.ds(k * 128, 128)], sem2
            )
        cp_e.wait()
        for k in range(IDX_ROWS):
            pltpu.make_async_copy(
                w_hbm.at[sidx_v.at[pl.ds(k * 128, 128)]],
                rows_v.at[pl.ds(k * 128, 128)], sem2
            ).wait()

        lane = lax.iota(jnp.int32, 16)
        last_lane = lane == 15

        def b_body(b, _):
            e0 = emb_v[b, pl.ds(0, 16)]
            e1 = emb_v[b, pl.ds(16, 16)]
            e2 = emb_v[b, pl.ds(32, 16)]
            e3 = emb_v[b, pl.ds(48, 16)]
            for si in range(S):
                r = b * S + si
                acc = (rows_v[r, pl.ds(0, 16)] * e0
                       + rows_v[r, pl.ds(16, 16)] * e1
                       + rows_v[r, pl.ds(32, 16)] * e2
                       + rows_v[r, pl.ds(48, 16)] * e3)
                cum = plsc.cumsum(acc)
                if si < P:
                    tgt, pos = pos_v, b * P + si
                else:
                    tgt, pos = neg_v, b * N + (si - P)
                plsc.store_scatter(
                    tgt, [jnp.broadcast_to(pos, (16,))], cum, mask=last_lane
                )
            return 0

        lax.fori_loop(0, C, b_body, 0)
        pltpu.sync_copy(pos_v, pos_hbm.at[pl.ds(b0 * P, C * P)])
        pltpu.sync_copy(neg_v, neg_hbm.at[pl.ds(b0 * N, C * N)])
        return 0

    lax.fori_loop(0, NCHUNK, chunk_body, 0)


def _make_sc_logits(interpret=False):
    return pl.kernel(
        _sc_logits_body,
        out_type=(
            jax.ShapeDtypeStruct((B * P,), jnp.float32),
            jax.ShapeDtypeStruct((B * N,), jnp.float32),
        ),
        mesh=_mesh,
        compiler_params=pltpu.CompilerParams(
            needs_layout_passes=False, use_tc_tiling_on_sc=False),
        interpret=interpret,
        scratch_types=[
            pltpu.VMEM((C,), jnp.int32),
            pltpu.VMEM((C * S,), jnp.int32),
            pltpu.VMEM((C, D), jnp.float32),
            pltpu.VMEM((C * S, D), jnp.float32),
            pltpu.VMEM((C * P,), jnp.float32),
            pltpu.VMEM((C * N,), jnp.float32),
            pltpu.SemaphoreType.DMA,
            pltpu.SemaphoreType.DMA,
        ],
    )


_sc_logits = _make_sc_logits()


def _loss_body(pos_ref, neg_ref, out_ref):
    zp = pos_ref[...]
    zn = neg_ref[...]
    sp = 1.0 / (1.0 + jnp.exp(-zp))
    sn = 1.0 / (1.0 + jnp.exp(-zn))
    pos_loss = -jnp.sum(jnp.log(sp)) * (1.0 / (B * P))
    neg_loss = -jnp.sum(jnp.log(1.0 - sn + 1e-3)) * (1.0 / (B * N))
    out_ref[0, 0] = pos_loss + neg_loss


_loss = pl.pallas_call(
    _loss_body,
    out_shape=jax.ShapeDtypeStruct((1, 1), jnp.float32),
    out_specs=pl.BlockSpec(memory_space=pltpu.SMEM),
)


def kernel(x, positive_samples, negative_samples, emb_table, out_weight):
    x32 = x.astype(jnp.int32)
    samp = jnp.concatenate(
        [positive_samples.astype(jnp.int32), negative_samples.astype(jnp.int32)],
        axis=1,
    ).reshape(B * S)
    pos_logits, neg_logits = _sc_logits(x32, samp, emb_table, out_weight)
    out = _loss(pos_logits.reshape(B * P // 128, 128),
                neg_logits.reshape(B * N // 128, 128))
    return out[0, 0]

# --- scband reference (transcript-rebuilt; emitter-appended) ---
"""Pipeline reference for scband-word2-vec-86947317940479 (READ-ONLY COPY).

The authoritative reference and input builder live on the scoring server;
editing this copy changes nothing except your own understanding.
"""

import jax, jax.numpy as jnp
import numpy as np

VOCAB = 1000000
D = 64
B = 16384
P = 20
N = 20

def setup_inputs(seed: int = 0) -> dict:
    key = jax.random.key(seed)
    k1, k2, k3, k4, k5 = jax.random.split(key, 5)
    x = jax.random.randint(k1, (B,), 0, VOCAB)
    positive_samples = jax.random.randint(k2, (B, P), 0, VOCAB)
    negative_samples = jax.random.randint(k3, (B, N), 0, VOCAB)
    emb_table = jax.random.normal(k4, (VOCAB, D), dtype=jnp.float32) * 0.02
    out_weight = jax.random.normal(k5, (VOCAB, D), dtype=jnp.float32) * 0.02
    return {"x": x, "positive_samples": positive_samples, "negative_samples": negative_samples, "emb_table": emb_table, "out_weight": out_weight}

def reference(x, positive_samples, negative_samples, emb_table, out_weight):
    # emb = self.embeddings(x)
    emb = jnp.take(emb_table, x, axis=0)                      # [B, D]
    # context_weights = self.output_weights.weight[positive_samples]
    context_weights = jnp.take(out_weight, positive_samples, axis=0)   # [B, P, D]
    negative_sample_weights = jnp.take(out_weight, negative_samples, axis=0)  # [B, N, D]
    # torch.bmm(context_weights, emb.unsqueeze(-1)).squeeze(-1)
    positive_out = jnp.einsum('bpd,bd->bp', context_weights, emb)
    negative_out = jnp.einsum('bnd,bd->bn', negative_sample_weights, emb)
    positive_out = jax.nn.sigmoid(positive_out)
    negative_out = jax.nn.sigmoid(negative_out)
    positive_loss = -jnp.mean(jnp.log(positive_out))
    negative_loss = -jnp.mean(jnp.log(1.0 - negative_out + 1e-3))
    return positive_loss + negative_loss

if __name__ == "__main__":
    import jax
    _d = setup_inputs()
    print(jax.jit(kernel)(*tuple(_d.values())))

</pallas_src>

<mosaic_0001>
#map = affine_map<(d0, d1) -> (0)>
#map1 = affine_map<(d0, d1) -> (0, 0)>
module attributes {stable_mosaic.version = 14 : i64} {
  func.func @_sc_logits_body(%arg0: i32, %arg1: i32, %arg2: memref<16384xi32, #tpu.memory_space<hbm>>, %arg3: memref<655360xi32, #tpu.memory_space<hbm>>, %arg4: memref<1000000x64xf32, #tpu.memory_space<hbm>>, %arg5: memref<1000000x64xf32, #tpu.memory_space<hbm>>, %arg6: memref<327680xf32, #tpu.memory_space<hbm>>, %arg7: memref<327680xf32, #tpu.memory_space<hbm>>, %arg8: memref<16xi32, #tpu.memory_space<vmem>>, %arg9: memref<640xi32, #tpu.memory_space<vmem>>, %arg10: memref<16x64xf32, #tpu.memory_space<vmem>>, %arg11: memref<640x64xf32, #tpu.memory_space<vmem>>, %arg12: memref<320xf32, #tpu.memory_space<vmem>>, %arg13: memref<320xf32, #tpu.memory_space<vmem>>, %arg14: memref<!tpu.dma_semaphore, #tpu.memory_space<semaphore_mem>>, %arg15: memref<!tpu.dma_semaphore, #tpu.memory_space<semaphore_mem>>) attributes {dimension_semantics = [#tpu.dimension_semantics<core_parallel>, #tpu.dimension_semantics<subcore_parallel>], iteration_bounds = array<i64: 2, 16>, scalar_prefetch = 0 : i64, scratch_operands = 8 : i64, tpu.core_type = #tpu.core_type<sc_vector_subcore>, window_params = [{transform_indices = #map}, {transform_indices = #map}, {transform_indices = #map1}, {transform_indices = #map1}, {transform_indices = #map}, {transform_indices = #map}]} {
    %mul3A = arith.constant 2 : i32
    %mul3A_0 = arith.muli %arg1, %mul3A : i32
    %add3A = arith.addi %mul3A_0, %arg0 : i32
    %mul3A_1 = arith.constant 512 : i32
    %mul3A_2 = arith.muli %add3A, %mul3A_1 : i32
    %scan3A = arith.constant 0 : i32
    %scan3A_3 = arith.constant 0 : i32
    %scan3A_4 = arith.constant 32 : i32
    %scan3A_5 = arith.addi %scan3A_3, %scan3A_4 : i32
    %scan3A_6 = arith.constant 1 : i32
    %scan3A_7 = scf.for %scan3A_9 = %scan3A_3 to %scan3A_5 step %scan3A_6 iter_args(%scan3A_10 = %scan3A) -> (i32)  : i32 {
      %mul3A_11 = arith.constant 16 : i32
      %mul3A_12 = arith.muli %scan3A_9, %mul3A_11 : i32
      %add3A_13 = arith.addi %mul3A_2, %mul3A_12 : i32
      "tpu.region"() ({
        %run_scoped3A = tpu.sem_alloc : memref<!tpu.dma_semaphore, #tpu.memory_space<semaphore_mem>>
        %dma_start3A_114 = tpu.memref_slice %arg2[%add3A_13] : memref<16384xi32, #tpu.memory_space<hbm>> -> memref<16xi32, #tpu.memory_space<hbm>>
        %dma_start3A_115 = tpu.memref_slice %arg2[%add3A_13] : memref<16384xi32, #tpu.memory_space<hbm>> -> memref<16xi32, #tpu.memory_space<hbm>>
        tpu.enqueue_dma source(%dma_start3A_115 : memref<16xi32, #tpu.memory_space<hbm>>) target(%arg8 : memref<16xi32, #tpu.memory_space<vmem>>) target_semaphore(%run_scoped3A : memref<!tpu.dma_semaphore, #tpu.memory_space<semaphore_mem>>)
        %dma_wait3A_116 = tpu.memref_slice %arg2[%add3A_13] : memref<16384xi32, #tpu.memory_space<hbm>> -> memref<16xi32, #tpu.memory_space<hbm>>
        %dma_wait3A_117 = tpu.memref_slice %arg2[%add3A_13] : memref<16384xi32, #tpu.memory_space<hbm>> -> memref<16xi32, #tpu.memory_space<hbm>>
        tpu.wait_dma2 semaphore(%run_scoped3A : memref<!tpu.dma_semaphore, #tpu.memory_space<semaphore_mem>>) src(%dma_wait3A_117 : memref<16xi32, #tpu.memory_space<hbm>>) dst(%arg8 : memref<16xi32, #tpu.memory_space<vmem>>)
        tpu.yield
      }) : () -> ()
      %mul3A_14 = arith.constant 40 : i32
      %mul3A_15 = arith.muli %add3A_13, %mul3A_14 : i32
      "tpu.region"() ({
        %run_scoped3A = tpu.sem_alloc : memref<!tpu.dma_semaphore, #tpu.memory_space<semaphore_mem>>
        %dma_start3A_114 = tpu.memref_slice %arg3[%mul3A_15] : memref<655360xi32, #tpu.memory_space<hbm>> -> memref<640xi32, #tpu.memory_space<hbm>>
        %dma_start3A_115 = tpu.memref_slice %arg3[%mul3A_15] : memref<655360xi32, #tpu.memory_space<hbm>> -> memref<640xi32, #tpu.memory_space<hbm>>
        tpu.enqueue_dma source(%dma_start3A_115 : memref<640xi32, #tpu.memory_space<hbm>>) target(%arg9 : memref<640xi32, #tpu.memory_space<vmem>>) target_semaphore(%run_scoped3A : memref<!tpu.dma_semaphore, #tpu.memory_space<semaphore_mem>>)
        %dma_wait3A_116 = tpu.memref_slice %arg3[%mul3A_15] : memref<655360xi32, #tpu.memory_space<hbm>> -> memref<640xi32, #tpu.memory_space<hbm>>
        %dma_wait3A_117 = tpu.memref_slice %arg3[%mul3A_15] : memref<655360xi32, #tpu.memory_space<hbm>> -> memref<640xi32, #tpu.memory_space<hbm>>
        tpu.wait_dma2 semaphore(%run_scoped3A : memref<!tpu.dma_semaphore, #tpu.memory_space<semaphore_mem>>) src(%dma_wait3A_117 : memref<640xi32, #tpu.memory_space<hbm>>) dst(%arg9 : memref<640xi32, #tpu.memory_space<vmem>>)
        tpu.yield
      }) : () -> ()
      %dma_start3A = arith.constant 0 : i32
      %dma_start3A_16 = arith.constant 0 : i32
      %dma_start3A_17 = tpu.memref_slice %arg4[%dma_start3A, %dma_start3A_16] : memref<1000000x64xf32, #tpu.memory_space<hbm>> -> memref<1000000x64xf32, #tpu.memory_space<hbm>>
      tpu.enqueue_indirect_dma source(%dma_start3A_17 : memref<1000000x64xf32, #tpu.memory_space<hbm>>) target(%arg10 : memref<16x64xf32, #tpu.memory_space<vmem>>) offsets(%arg8 : memref<16xi32, #tpu.memory_space<vmem>>) semaphore(%arg14 : memref<!tpu.dma_semaphore, #tpu.memory_space<semaphore_mem>>)
      %dma_start3A_18 = arith.constant 0 : i32
      %dma_start3A_19 = arith.constant 0 : i32
      %dma_start3A_20 = tpu.memref_slice %arg11[%dma_start3A_18, %dma_start3A_19] : memref<640x64xf32, #tpu.memory_space<vmem>> -> memref<128x64xf32, #tpu.memory_space<vmem>>
      %dma_start3A_21 = arith.constant 0 : i32
      %dma_start3A_22 = tpu.memref_slice %arg9[%dma_start3A_21] : memref<640xi32, #tpu.memory_space<vmem>> -> memref<128xi32, #tpu.memory_space<vmem>>
      %dma_start3A_23 = arith.constant 0 : i32
      %dma_start3A_24 = arith.constant 0 : i32
      %dma_start3A_25 = tpu.memref_slice %arg5[%dma_start3A_23, %dma_start3A_24] : memref<1000000x64xf32, #tpu.memory_space<hbm>> -> memref<1000000x64xf32, #tpu.memory_space<hbm>>
      tpu.enqueue_indirect_dma source(%dma_start3A_25 : memref<1000000x64xf32, #tpu.memory_space<hbm>>) target(%dma_start3A_20 : memref<128x64xf32, #tpu.memory_space<vmem>>) offsets(%dma_start3A_22 : memref<128xi32, #tpu.memory_space<vmem>>) semaphore(%arg15 : memref<!tpu.dma_semaphore, #tpu.memory_space<semaphore_mem>>)
      %dma_start3A_26 = arith.constant 128 : i32
      %dma_start3A_27 = arith.constant 0 : i32
      %dma_start3A_28 = tpu.memref_slice %arg11[%dma_start3A_26, %dma_start3A_27] : memref<640x64xf32, #tpu.memory_space<vmem>> -> memref<128x64xf32, #tpu.memory_space<vmem>>
      %dma_start3A_29 = arith.constant 128 : i32
      %dma_start3A_30 = tpu.memref_slice %arg9[%dma_start3A_29] : memref<640xi32, #tpu.memory_space<vmem>> -> memref<128xi32, #tpu.memory_space<vmem>>
      %dma_start3A_31 = arith.constant 0 : i32
      %dma_start3A_32 = arith.constant 0 : i32
      %dma_start3A_33 = tpu.memref_slice %arg5[%dma_start3A_31, %dma_start3A_32] : memref<1000000x64xf32, #tpu.memory_space<hbm>> -> memref<1000000x64xf32, #tpu.memory_space<hbm>>
      tpu.enqueue_indirect_dma source(%dma_start3A_33 : memref<1000000x64xf32, #tpu.memory_space<hbm>>) target(%dma_start3A_28 : memref<128x64xf32, #tpu.memory_space<vmem>>) offsets(%dma_start3A_30 : memref<128xi32, #tpu.memory_space<vmem>>) semaphore(%arg15 : memref<!tpu.dma_semaphore, #tpu.memory_space<semaphore_mem>>)
      %dma_start3A_34 = arith.constant 256 : i32
      %dma_start3A_35 = arith.constant 0 : i32
      %dma_start3A_36 = tpu.memref_slice %arg11[%dma_start3A_34, %dma_start3A_35] : memref<640x64xf32, #tpu.memory_space<vmem>> -> memref<128x64xf32, #tpu.memory_space<vmem>>
      %dma_start3A_37 = arith.constant 256 : i32
      %dma_start3A_38 = tpu.memref_slice %arg9[%dma_start3A_37] : memref<640xi32, #tpu.memory_space<vmem>> -> memref<128xi32, #tpu.memory_space<vmem>>
      %dma_start3A_39 = arith.constant 0 : i32
      %dma_start3A_40 = arith.constant 0 : i32
      %dma_start3A_41 = tpu.memref_slice %arg5[%dma_start3A_39, %dma_start3A_40] : memref<1000000x64xf32, #tpu.memory_space<hbm>> -> memref<1000000x64xf32, #tpu.memory_space<hbm>>
      tpu.enqueue_indirect_dma source(%dma_start3A_41 : memref<1000000x64xf32, #tpu.memory_space<hbm>>) target(%dma_start3A_36 : memref<128x64xf32, #tpu.memory_space<vmem>>) offsets(%dma_start3A_38 : memref<128xi32, #tpu.memory_space<vmem>>) semaphore(%arg15 : memref<!tpu.dma_semaphore, #tpu.memory_space<semaphore_mem>>)
      %dma_start3A_42 = arith.constant 384 : i32
      %dma_start3A_43 = arith.constant 0 : i32
      %dma_start3A_44 = tpu.memref_slice %arg11[%dma_start3A_42, %dma_start3A_43] : memref<640x64xf32, #tpu.memory_space<vmem>> -> memref<128x64xf32, #tpu.memory_space<vmem>>
      %dma_start3A_45 = arith.constant 384 : i32
      %dma_start3A_46 = tpu.memref_slice %arg9[%dma_start3A_45] : memref<640xi32, #tpu.memory_space<vmem>> -> memref<128xi32, #tpu.memory_space<vmem>>
      %dma_start3A_47 = arith.constant 0 : i32
      %dma_start3A_48 = arith.constant 0 : i32
      %dma_start3A_49 = tpu.memref_slice %arg5[%dma_start3A_47, %dma_start3A_48] : memref<1000000x64xf32, #tpu.memory_space<hbm>> -> memref<1000000x64xf32, #tpu.memory_space<hbm>>
      tpu.enqueue_indirect_dma source(%dma_start3A_49 : memref<1000000x64xf32, #tpu.memory_space<hbm>>) target(%dma_start3A_44 : memref<128x64xf32, #tpu.memory_space<vmem>>) offsets(%dma_start3A_46 : memref<128xi32, #tpu.memory_space<vmem>>) semaphore(%arg15 : memref<!tpu.dma_semaphore, #tpu.memory_space<semaphore_mem>>)
      %dma_start3A_50 = arith.constant 512 : i32
      %dma_start3A_51 = arith.constant 0 : i32
      %dma_start3A_52 = tpu.memref_slice %arg11[%dma_start3A_50, %dma_start3A_51] : memref<640x64xf32, #tpu.memory_space<vmem>> -> memref<128x64xf32, #tpu.memory_space<vmem>>
      %dma_start3A_53 = arith.constant 512 : i32
      %dma_start3A_54 = tpu.memref_slice %arg9[%dma_start3A_53] : memref<640xi32, #tpu.memory_space<vmem>> -> memref<128xi32, #tpu.memory_space<vmem>>
      %dma_start3A_55 = arith.constant 0 : i32
      %dma_start3A_56 = arith.constant 0 : i32
      %dma_start3A_57 = tpu.memref_slice %arg5[%dma_start3A_55, %dma_start3A_56] : memref<1000000x64xf32, #tpu.memory_space<hbm>> -> memref<1000000x64xf32, #tpu.memory_space<hbm>>
      tpu.enqueue_indirect_dma source(%dma_start3A_57 : memref<1000000x64xf32, #tpu.memory_space<hbm>>) target(%dma_start3A_52 : memref<128x64xf32, #tpu.memory_space<vmem>>) offsets(%dma_start3A_54 : memref<128xi32, #tpu.memory_space<vmem>>) semaphore(%arg15 : memref<!tpu.dma_semaphore, #tpu.memory_space<semaphore_mem>>)
      %dma_wait3A = arith.constant 0 : i32
      %dma_wait3A_58 = arith.constant 0 : i32
      %dma_wait3A_59 = tpu.memref_slice %arg4[%dma_wait3A, %dma_wait3A_58] : memref<1000000x64xf32, #tpu.memory_space<hbm>> -> memref<1000000x64xf32, #tpu.memory_space<hbm>>
      tpu.wait_indirect_dma semaphore(%arg14 : memref<!tpu.dma_semaphore, #tpu.memory_space<semaphore_mem>>) src(%dma_wait3A_59 : memref<1000000x64xf32, #tpu.memory_space<hbm>>) dst(%arg10 : memref<16x64xf32, #tpu.memory_space<vmem>>)
      %dma_wait3A_60 = arith.constant 0 : i32
      %dma_wait3A_61 = arith.constant 0 : i32
      %dma_wait3A_62 = tpu.memref_slice %arg11[%dma_wait3A_60, %dma_wait3A_61] : memref<640x64xf32, #tpu.memory_space<vmem>> -> memref<128x64xf32, #tpu.memory_space<vmem>>
      %dma_wait3A_63 = arith.constant 0 : i32
      %dma_wait3A_64 = tpu.memref_slice %arg9[%dma_wait3A_63] : memref<640xi32, #tpu.memory_space<vmem>> -> memref<128xi32, #tpu.memory_space<vmem>>
      %dma_wait3A_65 = arith.constant 0 : i32
      %dma_wait3A_66 = arith.constant 0 : i32
      %dma_wait3A_67 = tpu.memref_slice %arg5[%dma_wait3A_65, %dma_wait3A_66] : memref<1000000x64xf32, #tpu.memory_space<hbm>> -> memref<1000000x64xf32, #tpu.memory_space<hbm>>
      tpu.wait_indirect_dma semaphore(%arg15 : memref<!tpu.dma_semaphore, #tpu.memory_space<semaphore_mem>>) src(%dma_wait3A_67 : memref<1000000x64xf32, #tpu.memory_space<hbm>>) dst(%dma_wait3A_62 : memref<128x64xf32, #tpu.memory_space<vmem>>)
      %dma_wait3A_68 = arith.constant 128 : i32
      %dma_wait3A_69 = arith.constant 0 : i32
      %dma_wait3A_70 = tpu.memref_slice %arg11[%dma_wait3A_68, %dma_wait3A_69] : memref<640x64xf32, #tpu.memory_space<vmem>> -> memref<128x64xf32, #tpu.memory_space<vmem>>
      %dma_wait3A_71 = arith.constant 128 : i32
      %dma_wait3A_72 = tpu.memref_slice %arg9[%dma_wait3A_71] : memref<640xi32, #tpu.memory_space<vmem>> -> memref<128xi32, #tpu.memory_space<vmem>>
      %dma_wait3A_73 = arith.constant 0 : i32
      %dma_wait3A_74 = arith.constant 0 : i32
      %dma_wait3A_75 = tpu.memref_slice %arg5[%dma_wait3A_73, %dma_wait3A_74] : memref<1000000x64xf32, #tpu.memory_space<hbm>> -> memref<1000000x64xf32, #tpu.memory_space<hbm>>
      tpu.wait_indirect_dma semaphore(%arg15 : memref<!tpu.dma_semaphore, #tpu.memory_space<semaphore_mem>>) src(%dma_wait3A_75 : memref<1000000x64xf32, #tpu.memory_space<hbm>>) dst(%dma_wait3A_70 : memref<128x64xf32, #tpu.memory_space<vmem>>)
      %dma_wait3A_76 = arith.constant 256 : i32
      %dma_wait3A_77 = arith.constant 0 : i32
      %dma_wait3A_78 = tpu.memref_slice %arg11[%dma_wait3A_76, %dma_wait3A_77] : memref<640x64xf32, #tpu.memory_space<vmem>> -> memref<128x64xf32, #tpu.memory_space<vmem>>
      %dma_wait3A_79 = arith.constant 256 : i32
      %dma_wait3A_80 = tpu.memref_slice %arg9[%dma_wait3A_79] : memref<640xi32, #tpu.memory_space<vmem>> -> memref<128xi32, #tpu.memory_space<vmem>>
      %dma_wait3A_81 = arith.constant 0 : i32
      %dma_wait3A_82 = arith.constant 0 : i32
      %dma_wait3A_83 = tpu.memref_slice %arg5[%dma_wait3A_81, %dma_wait3A_82] : memref<1000000x64xf32, #tpu.memory_space<hbm>> -> memref<1000000x64xf32, #tpu.memory_space<hbm>>
      tpu.wait_indirect_dma semaphore(%arg15 : memref<!tpu.dma_semaphore, #tpu.memory_space<semaphore_mem>>) src(%dma_wait3A_83 : memref<1000000x64xf32, #tpu.memory_space<hbm>>) dst(%dma_wait3A_78 : memref<128x64xf32, #tpu.memory_space<vmem>>)
      %dma_wait3A_84 = arith.constant 384 : i32
      %dma_wait3A_85 = arith.constant 0 : i32
      %dma_wait3A_86 = tpu.memref_slice %arg11[%dma_wait3A_84, %dma_wait3A_85] : memref<640x64xf32, #tpu.memory_space<vmem>> -> memref<128x64xf32, #tpu.memory_space<vmem>>
      %dma_wait3A_87 = arith.constant 384 : i32
      %dma_wait3A_88 = tpu.memref_slice %arg9[%dma_wait3A_87] : memref<640xi32, #tpu.memory_space<vmem>> -> memref<128xi32, #tpu.memory_space<vmem>>
      %dma_wait3A_89 = arith.constant 0 : i32
      %dma_wait3A_90 = arith.constant 0 : i32
      %dma_wait3A_91 = tpu.memref_slice %arg5[%dma_wait3A_89, %dma_wait3A_90] : memref<1000000x64xf32, #tpu.memory_space<hbm>> -> memref<1000000x64xf32, #tpu.memory_space<hbm>>
      tpu.wait_indirect_dma semaphore(%arg15 : memref<!tpu.dma_semaphore, #tpu.memory_space<semaphore_mem>>) src(%dma_wait3A_91 : memref<1000000x64xf32, #tpu.memory_space<hbm>>) dst(%dma_wait3A_86 : memref<128x64xf32, #tpu.memory_space<vmem>>)
      %dma_wait3A_92 = arith.constant 512 : i32
      %dma_wait3A_93 = arith.constant 0 : i32
      %dma_wait3A_94 = tpu.memref_slice %arg11[%dma_wait3A_92, %dma_wait3A_93] : memref<640x64xf32, #tpu.memory_space<vmem>> -> memref<128x64xf32, #tpu.memory_space<vmem>>
      %dma_wait3A_95 = arith.constant 512 : i32
      %dma_wait3A_96 = tpu.memref_slice %arg9[%dma_wait3A_95] : memref<640xi32, #tpu.memory_space<vmem>> -> memref<128xi32, #tpu.memory_space<vmem>>
      %dma_wait3A_97 = arith.constant 0 : i32
      %dma_wait3A_98 = arith.constant 0 : i32
      %dma_wait3A_99 = tpu.memref_slice %arg5[%dma_wait3A_97, %dma_wait3A_98] : memref<1000000x64xf32, #tpu.memory_space<hbm>> -> memref<1000000x64xf32, #tpu.memory_space<hbm>>
      tpu.wait_indirect_dma semaphore(%arg15 : memref<!tpu.dma_semaphore, #tpu.memory_space<semaphore_mem>>) src(%dma_wait3A_99 : memref<1000000x64xf32, #tpu.memory_space<hbm>>) dst(%dma_wait3A_94 : memref<128x64xf32, #tpu.memory_space<vmem>>)
      %iota3A = tpu.iota {dimensions = array<i32: 0>} : vector<16xi32>
      %eq3A = arith.constant 15 : i32
      %eq3A_100 = vector.broadcast %eq3A : i32 to vector<16xi32>
      %eq3A_101 = arith.cmpi eq, %iota3A, %eq3A_100 : vector<16xi32>
      %scan3A_102 = arith.constant 0 : i32
      %scan3A_103 = arith.constant 0 : i32
      %scan3A_104 = arith.constant 16 : i32
      %scan3A_105 = arith.addi %scan3A_103, %scan3A_104 : i32
      %scan3A_106 = arith.constant 1 : i32
      %scan3A_107 = scf.for %scan3A_114 = %scan3A_103 to %scan3A_105 step %scan3A_106 iter_args(%scan3A_115 = %scan3A_102) -> (i32)  : i32 {
        %get3A = arith.index_cast %scan3A_114 : i32 to index
        %get3A_116 = arith.constant 0 : index
        %get3A_117 = tpu.vector_load %arg10[%get3A, %get3A_116] {strides = array<i32>} : memref<16x64xf32, #tpu.memory_space<vmem>>, vector<16xf32>,
        %get3A_118 = arith.index_cast %scan3A_114 : i32 to index
        %get3A_119 = arith.constant 16 : index
        %get3A_120 = tpu.vector_load %arg10[%get3A_118, %get3A_119] {strides = array<i32>} : memref<16x64xf32, #tpu.memory_space<vmem>>, vector<16xf32>,
        %get3A_121 = arith.index_cast %scan3A_114 : i32 to index
        %get3A_122 = arith.constant 32 : index
        %get3A_123 = tpu.vector_load %arg10[%get3A_121, %get3A_122] {strides = array<i32>} : memref<16x64xf32, #tpu.memory_space<vmem>>, vector<16xf32>,
        %get3A_124 = arith.index_cast %scan3A_114 : i32 to index
        %get3A_125 = arith.constant 48 : index
        %get3A_126 = tpu.vector_load %arg10[%get3A_124, %get3A_125] {strides = array<i32>} : memref<16x64xf32, #tpu.memory_space<vmem>>, vector<16xf32>,
        %mul3A_127 = arith.constant 40 : i32
        %mul3A_128 = arith.muli %scan3A_114, %mul3A_127 : i32
        %add3A_129 = arith.constant 0 : i32
        %add3A_130 = arith.addi %mul3A_128, %add3A_129 : i32
        %get3A_131 = arith.index_cast %add3A_130 : i32 to index
        %get3A_132 = arith.constant 0 : index
        %get3A_133 = tpu.vector_load %arg11[%get3A_131, %get3A_132] {strides = array<i32>} : memref<640x64xf32, #tpu.memory_space<vmem>>, vector<16xf32>,
        %mul3A_134 = arith.mulf %get3A_133, %get3A_117 : vector<16xf32>
        %get3A_135 = arith.index_cast %add3A_130 : i32 to index
        %get3A_136 = arith.constant 16 : index
        %get3A_137 = tpu.vector_load %arg11[%get3A_135, %get3A_136] {strides = array<i32>} : memref<640x64xf32, #tpu.memory_space<vmem>>, vector<16xf32>,
        %mul3A_138 = arith.mulf %get3A_137, %get3A_120 : vector<16xf32>
        %add3A_139 = arith.addf %mul3A_134, %mul3A_138 : vector<16xf32>
        %get3A_140 = arith.index_cast %add3A_130 : i32 to index
        %get3A_141 = arith.constant 32 : index
        %get3A_142 = tpu.vector_load %arg11[%get3A_140, %get3A_141] {strides = array<i32>} : memref<640x64xf32, #tpu.memory_space<vmem>>, vector<16xf32>,
        %mul3A_143 = arith.mulf %get3A_142, %get3A_123 : vector<16xf32>
        %add3A_144 = arith.addf %add3A_139, %mul3A_143 : vector<16xf32>
        %get3A_145 = arith.index_cast %add3A_130 : i32 to index
        %get3A_146 = arith.constant 48 : index
        %get3A_147 = tpu.vector_load %arg11[%get3A_145, %get3A_146] {strides = array<i32>} : memref<640x64xf32, #tpu.memory_space<vmem>>, vector<16xf32>,
        %mul3A_148 = arith.mulf %get3A_147, %get3A_126 : vector<16xf32>
        %add3A_149 = arith.addf %add3A_144, %mul3A_148 : vector<16xf32>
        %broadcast_in_dim3A = arith.constant true
        %broadcast_in_dim3A_150 = vector.broadcast %broadcast_in_dim3A : i1 to vector<16xi1>
        %masked_cumsum3A = tpu.scan <sum>, %add3A_149 masked %broadcast_in_dim3A_150 : vector<16xf32>, vector<16xi1> -> vector<16xf32>
        %mul3A_151 = arith.constant 20 : i32
        %mul3A_152 = arith.muli %scan3A_114, %mul3A_151 : i32
        %add3A_153 = arith.constant 0 : i32
        %add3A_154 = arith.addi %mul3A_152, %add3A_153 : i32
        %broadcast_in_dim3A_155 = vector.broadcast %add3A_154 : i32 to vector<16xi32>
        tpu.vector_store_idx %arg12[%broadcast_in_dim3A_155], %masked_cumsum3A masked %eq3A_101 : memref<320xf32, #tpu.memory_space<vmem>>[vector<16xi32>], vector<16xf32>, vector<16xi1>
        %mul3A_156 = arith.constant 40 : i32
        %mul3A_157 = arith.muli %scan3A_114, %mul3A_156 : i32
        %add3A_158 = arith.constant 1 : i32
        %add3A_159 = arith.addi %mul3A_157, %add3A_158 : i32
        %get3A_160 = arith.index_cast %add3A_159 : i32 to index
        %get3A_161 = arith.constant 0 : index
        %get3A_162 = tpu.vector_load %arg11[%get3A_160, %get3A_161] {strides = array<i32>} : memref<640x64xf32, #tpu.memory_space<vmem>>, vector<16xf32>,
        %mul3A_163 = arith.mulf %get3A_162, %get3A_117 : vector<16xf32>
        %get3A_164 = arith.index_cast %add3A_159 : i32 to index
        %get3A_165 = arith.constant 16 : index
        %get3A_166 = tpu.vector_load %arg11[%get3A_164, %get3A_165] {strides = array<i32>} : memref<640x64xf32, #tpu.memory_space<vmem>>, vector<16xf32>,
        %mul3A_167 = arith.mulf %get3A_166, %get3A_120 : vector<16xf32>
        %add3A_168 = arith.addf %mul3A_163, %mul3A_167 : vector<16xf32>
        %get3A_169 = arith.index_cast %add3A_159 : i32 to index
        %get3A_170 = arith.constant 32 : index
        %get3A_171 = tpu.vector_load %arg11[%get3A_169, %get3A_170] {strides = array<i32>} : memref<640x64xf32, #tpu.memory_space<vmem>>, vector<16xf32>,
        %mul3A_172 = arith.mulf %get3A_171, %get3A_123 : vector<16xf32>
        %add3A_173 = arith.addf %add3A_168, %mul3A_172 : vector<16xf32>
        %get3A_174 = arith.index_cast %add3A_159 : i32 to index
        %get3A_175 = arith.constant 48 : index
        %get3A_176 = tpu.vector_load %arg11[%get3A_174, %get3A_175] {strides = array<i32>} : memref<640x64xf32, #tpu.memory_space<vmem>>, vector<16xf32>,
        %mul3A_177 = arith.mulf %get3A_176, %get3A_126 : vector<16xf32>
        %add3A_178 = arith.addf %add3A_173, %mul3A_177 : vector<16xf32>
        %broadcast_in_dim3A_179 = arith.constant true
        %broadcast_in_dim3A_180 = vector.broadcast %broadcast_in_dim3A_179 : i1 to vector<16xi1>
        %masked_cumsum3A_181 = tpu.scan <sum>, %add3A_178 masked %broadcast_in_dim3A_180 : vector<16xf32>, vector<16xi1> -> vector<16xf32>
        %mul3A_182 = arith.constant 20 : i32
        %mul3A_183 = arith.muli %scan3A_114, %mul3A_182 : i32
        %add3A_184 = arith.constant 1 : i32
        %add3A_185 = arith.addi %mul3A_183, %add3A_184 : i32
        %broadcast_in_dim3A_186 = vector.broadcast %add3A_185 : i32 to vector<16xi32>
        tpu.vector_store_idx %arg12[%broadcast_in_dim3A_186], %masked_cumsum3A_181 masked %eq3A_101 : memref<320xf32, #tpu.memory_space<vmem>>[vector<16xi32>], vector<16xf32>, vector<16xi1>
        %mul3A_187 = arith.constant 40 : i32
        %mul3A_188 = arith.muli %scan3A_114, %mul3A_187 : i32
        %add3A_189 = arith.constant 2 : i32
        %add3A_190 = arith.addi %mul3A_188, %add3A_189 : i32
        %get3A_191 = arith.index_cast %add3A_190 : i32 to index
        %get3A_192 = arith.constant 0 : index
        %get3A_193 = tpu.vector_load %arg11[%get3A_191, %get3A_192] {strides = array<i32>} : memref<640x64xf32, #tpu.memory_space<vmem>>, vector<16xf32>,
        %mul3A_194 = arith.mulf %get3A_193, %get3A_117 : vector<16xf32>
        %get3A_195 = arith.index_cast %add3A_190 : i32 to index
        %get3A_196 = arith.constant 16 : index
        %get3A_197 = tpu.vector_load %arg11[%get3A_195, %get3A_196] {strides = array<i32>} : memref<640x64xf32, #tpu.memory_space<vmem>>, vector<16xf32>,
        %mul3A_198 = arith.mulf %get3A_197, %get3A_120 : vector<16xf32>
        %add3A_199 = arith.addf %mul3A_194, %mul3A_198 : vector<16xf32>
        %get3A_200 = arith.index_cast %add3A_190 : i32 to index
        %get3A_201 = arith.constant 32 : index
        %get3A_202 = tpu.vector_load %arg11[%get3A_200, %get3A_201] {strides = array<i32>} : memref<640x64xf32, #tpu.memory_space<vmem>>, vector<16xf32>,
        %mul3A_203 = arith.mulf %get3A_202, %get3A_123 : vector<16xf32>
        %add3A_204 = arith.addf %add3A_199, %mul3A_203 : vector<16xf32>
        %get3A_205 = arith.index_cast %add3A_190 : i32 to index
        %get3A_206 = arith.constant 48 : index
        %get3A_207 = tpu.vector_load %arg11[%get3A_205, %get3A_206] {strides = array<i32>} : memref<640x64xf32, #tpu.memory_space<vmem>>, vector<16xf32>,
        %mul3A_208 = arith.mulf %get3A_207, %get3A_126 : vector<16xf32>
        %add3A_209 = arith.addf %add3A_204, %mul3A_208 : vector<16xf32>
        %broadcast_in_dim3A_210 = arith.constant true
        %broadcast_in_dim3A_211 = vector.broadcast %broadcast_in_dim3A_210 : i1 to vector<16xi1>
        %masked_cumsum3A_212 = tpu.scan <sum>, %add3A_209 masked %broadcast_in_dim3A_211 : vector<16xf32>, vector<16xi1> -> vector<16xf32>
        %mul3A_213 = arith.constant 20 : i32
        %mul3A_214 = arith.muli %scan3A_114, %mul3A_213 : i32
        %add3A_215 = arith.constant 2 : i32
        %add3A_216 = arith.addi %mul3A_214, %add3A_215 : i32
        %broadcast_in_dim3A_217 = vector.broadcast %add3A_216 : i32 to vector<16xi32>
        tpu.vector_store_idx %arg12[%broadcast_in_dim3A_217], %masked_cumsum3A_212 masked %eq3A_101 : memref<320xf32, #tpu.memory_space<vmem>>[vector<16xi32>], vector<16xf32>, vector<16xi1>
        %mul3A_218 = arith.constant 40 : i32
        %mul3A_219 = arith.muli %scan3A_114, %mul3A_218 : i32
        %add3A_220 = arith.constant 3 : i32
        %add3A_221 = arith.addi %mul3A_219, %add3A_220 : i32
        %get3A_222 = arith.index_cast %add3A_221 : i32 to index
        %get3A_223 = arith.constant 0 : index
        %get3A_224 = tpu.vector_load %arg11[%get3A_222, %get3A_223] {strides = array<i32>} : memref<640x64xf32, #tpu.memory_space<vmem>>, vector<16xf32>,
        %mul3A_225 = arith.mulf %get3A_224, %get3A_117 : vector<16xf32>
        %get3A_226 = arith.index_cast %add3A_221 : i32 to index
        %get3A_227 = arith.constant 16 : index
        %get3A_228 = tpu.vector_load %arg11[%get3A_226, %get3A_227] {strides = array<i32>} : memref<640x64xf32, #tpu.memory_space<vmem>>, vector<16xf32>,
        %mul3A_229 = arith.mulf %get3A_228, %get3A_120 : vector<16xf32>
        %add3A_230 = arith.addf %mul3A_225, %mul3A_229 : vector<16xf32>
        %get3A_231 = arith.index_cast %add3A_221 : i32 to index
        %get3A_232 = arith.constant 32 : index
        %get3A_233 = tpu.vector_load %arg11[%get3A_231, %get3A_232] {strides = array<i32>} : memref<640x64xf32, #tpu.memory_space<vmem>>, vector<16xf32>,
        %mul3A_234 = arith.mulf %get3A_233, %get3A_123 : vector<16xf32>
        %add3A_235 = arith.addf %add3A_230, %mul3A_234 : vector<16xf32>
        %get3A_236 = arith.index_cast %add3A_221 : i32 to index
        %get3A_237 = arith.constant 48 : index
        %get3A_238 = tpu.vector_load %arg11[%get3A_236, %get3A_237] {strides = array<i32>} : memref<640x64xf32, #tpu.memory_space<vmem>>, vector<16xf32>,
        %mul3A_239 = arith.mulf %get3A_238, %get3A_126 : vector<16xf32>
        %add3A_240 = arith.addf %add3A_235, %mul3A_239 : vector<16xf32>
        %broadcast_in_dim3A_241 = arith.constant true
        %broadcast_in_dim3A_242 = vector.broadcast %broadcast_in_dim3A_241 : i1 to vector<16xi1>
        %masked_cumsum3A_243 = tpu.scan <sum>, %add3A_240 masked %broadcast_in_dim3A_242 : vector<16xf32>, vector<16xi1> -> vector<16xf32>
        %mul3A_244 = arith.constant 20 : i32
        %mul3A_245 = arith.muli %scan3A_114, %mul3A_244 : i32
        %add3A_246 = arith.constant 3 : i32
        %add3A_247 = arith.addi %mul3A_245, %add3A_246 : i32
        %broadcast_in_dim3A_248 = vector.broadcast %add3A_247 : i32 to vector<16xi32>
        tpu.vector_store_idx %arg12[%broadcast_in_dim3A_248], %masked_cumsum3A_243 masked %eq3A_101 : memref<320xf32, #tpu.memory_space<vmem>>[vector<16xi32>], vector<16xf32>, vector<16xi1>
        %mul3A_249 = arith.constant 40 : i32
        %mul3A_250 = arith.muli %scan3A_114, %mul3A_249 : i32
        %add3A_251 = arith.constant 4 : i32
        %add3A_252 = arith.addi %mul3A_250, %add3A_251 : i32
        %get3A_253 = arith.index_cast %add3A_252 : i32 to index
        %get3A_254 = arith.constant 0 : index
        %get3A_255 = tpu.vector_load %arg11[%get3A_253, %get3A_254] {strides = array<i32>} : memref<640x64xf32, #tpu.memory_space<vmem>>, vector<16xf32>,
        %mul3A_256 = arith.mulf %get3A_255, %get3A_117 : vector<16xf32>
        %get3A_257 = arith.index_cast %add3A_252 : i32 to index
        %get3A_258 = arith.constant 16 : index
        %get3A_259 = tpu.vector_load %arg11[%get3A_257, %get3A_258] {strides = array<i32>} : memref<640x64xf32, #tpu.memory_space<vmem>>, vector<16xf32>,
        %mul3A_260 = arith.mulf %get3A_259, %get3A_120 : vector<16xf32>
        %add3A_261 = arith.addf %mul3A_256, %mul3A_260 : vector<16xf32>
        %get3A_262 = arith.index_cast %add3A_252 : i32 to index
        %get3A_263 = arith.constant 32 : index
        %get3A_264 = tpu.vector_load %arg11[%get3A_262, %get3A_263] {strides = array<i32>} : memref<640x64xf32, #tpu.memory_space<vmem>>, vector<16xf32>,
        %mul3A_265 = arith.mulf %get3A_264, %get3A_123 : vector<16xf32>
        %add3A_266 = arith.addf %add3A_261, %mul3A_265 : vector<16xf32>
        %get3A_267 = arith.index_cast %add3A_252 : i32 to index
        %get3A_268 = arith.constant 48 : index
        %get3A_269 = tpu.vector_load %arg11[%get3A_267, %get3A_268] {strides = array<i32>} : memref<640x64xf32, #tpu.memory_space<vmem>>, vector<16xf32>,
        %mul3A_270 = arith.mulf %get3A_269, %get3A_126 : vector<16xf32>
        %add3A_271 = arith.addf %add3A_266, %mul3A_270 : vector<16xf32>
        %broadcast_in_dim3A_272 = arith.constant true
        %broadcast_in_dim3A_273 = vector.broadcast %broadcast_in_dim3A_272 : i1 to vector<16xi1>
        %masked_cumsum3A_274 = tpu.scan <sum>, %add3A_271 masked %broadcast_in_dim3A_273 : vector<16xf32>, vector<16xi1> -> vector<16xf32>
        %mul3A_275 = arith.constant 20 : i32
        %mul3A_276 = arith.muli %scan3A_114, %mul3A_275 : i32
        %add3A_277 = arith.constant 4 : i32
        %add3A_278 = arith.addi %mul3A_276, %add3A_277 : i32
        %broadcast_in_dim3A_279 = vector.broadcast %add3A_278 : i32 to vector<16xi32>
        tpu.vector_store_idx %arg12[%broadcast_in_dim3A_279], %masked_cumsum3A_274 masked %eq3A_101 : memref<320xf32, #tpu.memory_space<vmem>>[vector<16xi32>], vector<16xf32>, vector<16xi1>
        %mul3A_280 = arith.constant 40 : i32
        %mul3A_281 = arith.muli %scan3A_114, %mul3A_280 : i32
        %add3A_282 = arith.constant 5 : i32
        %add3A_283 = arith.addi %mul3A_281, %add3A_282 : i32
        %get3A_284 = arith.index_cast %add3A_283 : i32 to index
        %get3A_285 = arith.constant 0 : index
        %get3A_286 = tpu.vector_load %arg11[%get3A_284, %get3A_285] {strides = array<i32>} : memref<640x64xf32, #tpu.memory_space<vmem>>, vector<16xf32>,
        %mul3A_287 = arith.mulf %get3A_286, %get3A_117 : vector<16xf32>
        %get3A_288 = arith.index_cast %add3A_283 : i32 to index
        %get3A_289 = arith.constant 16 : index
        %get3A_290 = tpu.vector_load %arg11[%get3A_288, %get3A_289] {strides = array<i32>} : memref<640x64xf32, #tpu.memory_space<vmem>>, vector<16xf32>,
        %mul3A_291 = arith.mulf %get3A_290, %get3A_120 : vector<16xf32>
        %add3A_292 = arith.addf %mul3A_287, %mul3A_291 : vector<16xf32>
        %get3A_293 = arith.index_cast %add3A_283 : i32 to index
        %get3A_294 = arith.constant 32 : index
        %get3A_295 = tpu.vector_load %arg11[%get3A_293, %get3A_294] {strides = array<i32>} : memref<640x64xf32, #tpu.memory_space<vmem>>, vector<16xf32>,
        %mul3A_296 = arith.mulf %get3A_295, %get3A_123 : vector<16xf32>
        %add3A_297 = arith.addf %add3A_292, %mul3A_296 : vector<16xf32>
        %get3A_298 = arith.index_cast %add3A_283 : i32 to index
        %get3A_299 = arith.constant 48 : index
        %get3A_300 = tpu.vector_load %arg11[%get3A_298, %get3A_299] {strides = array<i32>} : memref<640x64xf32, #tpu.memory_space<vmem>>, vector<16xf32>,
        %mul3A_301 = arith.mulf %get3A_300, %get3A_126 : vector<16xf32>
        %add3A_302 = arith.addf %add3A_297, %mul3A_301 : vector<16xf32>
        %broadcast_in_dim3A_303 = arith.constant true
        %broadcast_in_dim3A_304 = vector.broadcast %broadcast_in_dim3A_303 : i1 to vector<16xi1>
        %masked_cumsum3A_305 = tpu.scan <sum>, %add3A_302 masked %broadcast_in_dim3A_304 : vector<16xf32>, vector<16xi1> -> vector<16xf32>
        %mul3A_306 = arith.constant 20 : i32
        %mul3A_307 = arith.muli %scan3A_114, %mul3A_306 : i32
        %add3A_308 = arith.constant 5 : i32
        %add3A_309 = arith.addi %mul3A_307, %add3A_308 : i32
        %broadcast_in_dim3A_310 = vector.broadcast %add3A_309 : i32 to vector<16xi32>
        tpu.vector_store_idx %arg12[%broadcast_in_dim3A_310], %masked_cumsum3A_305 masked %eq3A_101 : memref<320xf32, #tpu.memory_space<vmem>>[vector<16xi32>], vector<16xf32>, vector<16xi1>
        %mul3A_311 = arith.constant 40 : i32
        %mul3A_312 = arith.muli %scan3A_114, %mul3A_311 : i32
        %add3A_313 = arith.constant 6 : i32
        %add3A_314 = arith.addi %mul3A_312, %add3A_313 : i32
        %get3A_315 = arith.index_cast %add3A_314 : i32 to index
        %get3A_316 = arith.constant 0 : index
        %get3A_317 = tpu.vector_load %arg11[%get3A_315, %get3A_316] {strides = array<i32>} : memref<640x64xf32, #tpu.memory_space<vmem>>, vector<16xf32>,
        %mul3A_318 = arith.mulf %get3A_317, %get3A_117 : vector<16xf32>
        %get3A_319 = arith.index_cast %add3A_314 : i32 to index
        %get3A_320 = arith.constant 16 : index
        %get3A_321 = tpu.vector_load %arg11[%get3A_319, %get3A_320] {strides = array<i32>} : memref<640x64xf32, #tpu.memory_space<vmem>>, vector<16xf32>,
        %mul3A_322 = arith.mulf %get3A_321, %get3A_120 : vector<16xf32>
        %add3A_323 = arith.addf %mul3A_318, %mul3A_322 : vector<16xf32>
        %get3A_324 = arith.index_cast %add3A_314 : i32 to index
        %get3A_325 = arith.constant 32 : index
        %get3A_326 = tpu.vector_load %arg11[%get3A_324, %get3A_325] {strides = array<i32>} : memref<640x64xf32, #tpu.memory_space<vmem>>, vector<16xf32>,
        %mul3A_327 = arith.mulf %get3A_326, %get3A_123 : vector<16xf32>
        %add3A_328 = arith.addf %add3A_323, %mul3A_327 : vector<16xf32>
        %get3A_329 = arith.index_cast %add3A_314 : i32 to index
        %get3A_330 = arith.constant 48 : index
        %get3A_331 = tpu.vector_load %arg11[%get3A_329, %get3A_330] {strides = array<i32>} : memref<640x64xf32, #tpu.memory_space<vmem>>, vector<16xf32>,
        %mul3A_332 = arith.mulf %get3A_331, %get3A_126 : vector<16xf32>
        %add3A_333 = arith.addf %add3A_328, %mul3A_332 : vector<16xf32>
        %broadcast_in_dim3A_334 = arith.constant true
        %broadcast_in_dim3A_335 = vector.broadcast %broadcast_in_dim3A_334 : i1 to vector<16xi1>
        %masked_cumsum3A_336 = tpu.scan <sum>, %add3A_333 masked %broadcast_in_dim3A_335 : vector<16xf32>, vector<16xi1> -> vector<16xf32>
        %mul3A_337 = arith.constant 20 : i32
        %mul3A_338 = arith.muli %scan3A_114, %mul3A_337 : i32
        %add3A_339 = arith.constant 6 : i32
        %add3A_340 = arith.addi %mul3A_338, %add3A_339 : i32
        %broadcast_in_dim3A_341 = vector.broadcast %add3A_340 : i32 to vector<16xi32>
        tpu.vector_store_idx %arg12[%broadcast_in_dim3A_341], %masked_cumsum3A_336 masked %eq3A_101 : memref<320xf32, #tpu.memory_space<vmem>>[vector<16xi32>], vector<16xf32>, vector<16xi1>
        %mul3A_342 = arith.constant 40 : i32
        %mul3A_343 = arith.muli %scan3A_114, %mul3A_342 : i32
        %add3A_344 = arith.constant 7 : i32
        %add3A_345 = arith.addi %mul3A_343, %add3A_344 : i32
        %get3A_346 = arith.index_cast %add3A_345 : i32 to index
        %get3A_347 = arith.constant 0 : index
        %get3A_348 = tpu.vector_load %arg11[%get3A_346, %get3A_347] {strides = array<i32>} : memref<640x64xf32, #tpu.memory_space<vmem>>, vector<16xf32>,
        %mul3A_349 = arith.mulf %get3A_348, %get3A_117 : vector<16xf32>
        %get3A_350 = arith.index_cast %add3A_345 : i32 to index
        %get3A_351 = arith.constant 16 : index
        %get3A_352 = tpu.vector_load %arg11[%get3A_350, %get3A_351] {strides = array<i32>} : memref<640x64xf32, #tpu.memory_space<vmem>>, vector<16xf32>,
        %mul3A_353 = arith.mulf %get3A_352, %get3A_120 : vector<16xf32>
        %add3A_354 = arith.addf %mul3A_349, %mul3A_353 : vector<16xf32>
        %get3A_355 = arith.index_cast %add3A_345 : i32 to index
        %get3A_356 = arith.constant 32 : index
        %get3A_357 = tpu.vector_load %arg11[%get3A_355, %get3A_356] {strides = array<i32>} : memref<640x64xf32, #tpu.memory_space<vmem>>, vector<16xf32>,
        %mul3A_358 = arith.mulf %get3A_357, %get3A_123 : vector<16xf32>
        %add3A_359 = arith.addf %add3A_354, %mul3A_358 : vector<16xf32>
        %get3A_360 = arith.index_cast %add3A_345 : i32 to index
        %get3A_361 = arith.constant 48 : index
        %get3A_362 = tpu.vector_load %arg11[%get3A_360, %get3A_361] {strides = array<i32>} : memref<640x64xf32, #tpu.memory_space<vmem>>, vector<16xf32>,
        %mul3A_363 = arith.mulf %get3A_362, %get3A_126 : vector<16xf32>
        %add3A_364 = arith.addf %add3A_359, %mul3A_363 : vector<16xf32>
        %broadcast_in_dim3A_365 = arith.constant true
        %broadcast_in_dim3A_366 = vector.broadcast %broadcast_in_dim3A_365 : i1 to vector<16xi1>
        %masked_cumsum3A_367 = tpu.scan <sum>, %add3A_364 masked %broadcast_in_dim3A_366 : vector<16xf32>, vector<16xi1> -> vector<16xf32>
        %mul3A_368 = arith.constant 20 : i32
        %mul3A_369 = arith.muli %scan3A_114, %mul3A_368 : i32
        %add3A_370 = arith.constant 7 : i32
        %add3A_371 = arith.addi %mul3A_369, %add3A_370 : i32
        %broadcast_in_dim3A_372 = vector.broadcast %add3A_371 : i32 to vector<16xi32>
        tpu.vector_store_idx %arg12[%broadcast_in_dim3A_372], %masked_cumsum3A_367 masked %eq3A_101 : memref<320xf32, #tpu.memory_space<vmem>>[vector<16xi32>], vector<16xf32>, vector<16xi1>
        %mul3A_373 = arith.constant 40 : i32
        %mul3A_374 = arith.muli %scan3A_114, %mul3A_373 : i32
        %add3A_375 = arith.constant 8 : i32
        %add3A_376 = arith.addi %mul3A_374, %add3A_375 : i32
        %get3A_377 = arith.index_cast %add3A_376 : i32 to index
        %get3A_378 = arith.constant 0 : index
        %get3A_379 = tpu.vector_load %arg11[%get3A_377, %get3A_378] {strides = array<i32>} : memref<640x64xf32, #tpu.memory_space<vmem>>, vector<16xf32>,
        %mul3A_380 = arith.mulf %get3A_379, %get3A_117 : vector<16xf32>
        %get3A_381 = arith.index_cast %add3A_376 : i32 to index
        %get3A_382 = arith.constant 16 : index
        %get3A_383 = tpu.vector_load %arg11[%get3A_381, %get3A_382] {strides = array<i32>} : memref<640x64xf32, #tpu.memory_space<vmem>>, vector<16xf32>,
        %mul3A_384 = arith.mulf %get3A_383, %get3A_120 : vector<16xf32>
        %add3A_385 = arith.addf %mul3A_380, %mul3A_384 : vector<16xf32>
        %get3A_386 = arith.index_cast %add3A_376 : i32 to index
        %get3A_387 = arith.constant 32 : index
        %get3A_388 = tpu.vector_load %arg11[%get3A_386, %get3A_387] {strides = array<i32>} : memref<640x64xf32, #tpu.memory_space<vmem>>, vector<16xf32>,
        %mul3A_389 = arith.mulf %get3A_388, %get3A_123 : vector<16xf32>
        %add3A_390 = arith.addf %add3A_385, %mul3A_389 : vector<16xf32>
        %get3A_391 = arith.index_cast %add3A_376 : i32 to index
        %get3A_392 = arith.constant 48 : index
        %get3A_393 = tpu.vector_load %arg11[%get3A_391, %get3A_392] {strides = array<i32>} : memref<640x64xf32, #tpu.memory_space<vmem>>, vector<16xf32>,
        %mul3A_394 = arith.mulf %get3A_393, %get3A_126 : vector<16xf32>
        %add3A_395 = arith.addf %add3A_390, %mul3A_394 : vector<16xf32>
        %broadcast_in_dim3A_396 = arith.constant true
        %broadcast_in_dim3A_397 = vector.broadcast %broadcast_in_dim3A_396 : i1 to vector<16xi1>
        %masked_cumsum3A_398 = tpu.scan <sum>, %add3A_395 masked %broadcast_in_dim3A_397 : vector<16xf32>, vector<16xi1> -> vector<16xf32>
        %mul3A_399 = arith.constant 20 : i32
        %mul3A_400 = arith.muli %scan3A_114, %mul3A_399 : i32
        %add3A_401 = arith.constant 8 : i32
        %add3A_402 = arith.addi %mul3A_400, %add3A_401 : i32
        %broadcast_in_dim3A_403 = vector.broadcast %add3A_402 : i32 to vector<16xi32>
        tpu.vector_store_idx %arg12[%broadcast_in_dim3A_403], %masked_cumsum3A_398 masked %eq3A_101 : memref<320xf32, #tpu.memory_space<vmem>>[vector<16xi32>], vector<16xf32>, vector<16xi1>
        %mul3A_404 = arith.constant 40 : i32
        %mul3A_405 = arith.muli %scan3A_114, %mul3A_404 : i32
        %add3A_406 = arith.constant 9 : i32
        %add3A_407 = arith.addi %mul3A_405, %add3A_406 : i32
        %get3A_408 = arith.index_cast %add3A_407 : i32 to index
        %get3A_409 = arith.constant 0 : index
        %get3A_410 = tpu.vector_load %arg11[%get3A_408, %get3A_409] {strides = array<i32>} : memref<640x64xf32, #tpu.memory_space<vmem>>, vector<16xf32>,
        %mul3A_411 = arith.mulf %get3A_410, %get3A_117 : vector<16xf32>
        %get3A_412 = arith.index_cast %add3A_407 : i32 to index
        %get3A_413 = arith.constant 16 : index
        %get3A_414 = tpu.vector_load %arg11[%get3A_412, %get3A_413] {strides = array<i32>} : memref<640x64xf32, #tpu.memory_space<vmem>>, vector<16xf32>,
        %mul3A_415 = arith.mulf %get3A_414, %get3A_120 : vector<16xf32>
        %add3A_416 = arith.addf %mul3A_411, %mul3A_415 : vector<16xf32>
        %get3A_417 = arith.index_cast %add3A_407 : i32 to index
        %get3A_418 = arith.constant 32 : index
        %get3A_419 = tpu.vector_load %arg11[%get3A_417, %get3A_418] {strides = array<i32>} : memref<640x64xf32, #tpu.memory_space<vmem>>, vector<16xf32>,
        %mul3A_420 = arith.mulf %get3A_419, %get3A_123 : vector<16xf32>
        %add3A_421 = arith.addf %add3A_416, %mul3A_420 : vector<16xf32>
        %get3A_422 = arith.index_cast %add3A_407 : i32 to index
        %get3A_423 = arith.constant 48 : index
        %get3A_424 = tpu.vector_load %arg11[%get3A_422, %get3A_423] {strides = array<i32>} : memref<640x64xf32, #tpu.memory_space<vmem>>, vector<16xf32>,
        %mul3A_425 = arith.mulf %get3A_424, %get3A_126 : vector<16xf32>
        %add3A_426 = arith.addf %add3A_421, %mul3A_425 : vector<16xf32>
        %broadcast_in_dim3A_427 = arith.constant true
        %broadcast_in_dim3A_428 = vector.broadcast %broadcast_in_dim3A_427 : i1 to vector<16xi1>
        %masked_cumsum3A_429 = tpu.scan <sum>, %add3A_426 masked %broadcast_in_dim3A_428 : vector<16xf32>, vector<16xi1> -> vector<16xf32>
        %mul3A_430 = arith.constant 20 : i32
        %mul3A_431 = arith.muli %scan3A_114, %mul3A_430 : i32
        %add3A_432 = arith.constant 9 : i32
        %add3A_433 = arith.addi %mul3A_431, %add3A_432 : i32
        %broadcast_in_dim3A_434 = vector.broadcast %add3A_433 : i32 to vector<16xi32>
        tpu.vector_store_idx %arg12[%broadcast_in_dim3A_434], %masked_cumsum3A_429 masked %eq3A_101 : memref<320xf32, #tpu.memory_space<vmem>>[vector<16xi32>], vector<16xf32>, vector<16xi1>
        %mul3A_435 = arith.constant 40 : i32
        %mul3A_436 = arith.muli %scan3A_114, %mul3A_435 : i32
        %add3A_437 = arith.constant 10 : i32
        %add3A_438 = arith.addi %mul3A_436, %add3A_437 : i32
        %get3A_439 = arith.index_cast %add3A_438 : i32 to index
        %get3A_440 = arith.constant 0 : index
        %get3A_441 = tpu.vector_load %arg11[%get3A_439, %get3A_440] {strides = array<i32>} : memref<640x64xf32, #tpu.memory_space<vmem>>, vector<16xf32>,
        %mul3A_442 = arith.mulf %get3A_441, %get3A_117 : vector<16xf32>
        %get3A_443 = arith.index_cast %add3A_438 : i32 to index
        %get3A_444 = arith.constant 16 : index
        %get3A_445 = tpu.vector_load %arg11[%get3A_443, %get3A_444] {strides = array<i32>} : memref<640x64xf32, #tpu.memory_space<vmem>>, vector<16xf32>,
        %mul3A_446 = arith.mulf %get3A_445, %get3A_120 : vector<16xf32>
        %add3A_447 = arith.addf %mul3A_442, %mul3A_446 : vector<16xf32>
        %get3A_448 = arith.index_cast %add3A_438 : i32 to index
        %get3A_449 = arith.constant 32 : index
        %get3A_450 = tpu.vector_load %arg11[%get3A_448, %get3A_449] {strides = array<i32>} : memref<640x64xf32, #tpu.memory_space<vmem>>, vector<16xf32>,
        %mul3A_451 = arith.mulf %get3A_450, %get3A_123 : vector<16xf32>
        %add3A_452 = arith.addf %add3A_447, %mul3A_451 : vector<16xf32>
        %get3A_453 = arith.index_cast %add3A_438 : i32 to index
        %get3A_454 = arith.constant 48 : index
        %get3A_455 = tpu.vector_load %arg11[%get3A_453, %get3A_454] {strides = array<i32>} : memref<640x64xf32, #tpu.memory_space<vmem>>, vector<16xf32>,
        %mul3A_456 = arith.mulf %get3A_455, %get3A_126 : vector<16xf32>
        %add3A_457 = arith.addf %add3A_452, %mul3A_456 : vector<16xf32>
        %broadcast_in_dim3A_458 = arith.constant true
        %broadcast_in_dim3A_459 = vector.broadcast %broadcast_in_dim3A_458 : i1 to vector<16xi1>
        %masked_cumsum3A_460 = tpu.scan <sum>, %add3A_457 masked %broadcast_in_dim3A_459 : vector<16xf32>, vector<16xi1> -> vector<16xf32>
        %mul3A_461 = arith.constant 20 : i32
        %mul3A_462 = arith.muli %scan3A_114, %mul3A_461 : i32
        %add3A_463 = arith.constant 10 : i32
        %add3A_464 = arith.addi %mul3A_462, %add3A_463 : i32
        %broadcast_in_dim3A_465 = vector.broadcast %add3A_464 : i32 to vector<16xi32>
        tpu.vector_store_idx %arg12[%broadcast_in_dim3A_465], %masked_cumsum3A_460 masked %eq3A_101 : memref<320xf32, #tpu.memory_space<vmem>>[vector<16xi32>], vector<16xf32>, vector<16xi1>
        %mul3A_466 = arith.constant 40 : i32
        %mul3A_467 = arith.muli %scan3A_114, %mul3A_466 : i32
        %add3A_468 = arith.constant 11 : i32
        %add3A_469 = arith.addi %mul3A_467, %add3A_468 : i32
        %get3A_470 = arith.index_cast %add3A_469 : i32 to index
        %get3A_471 = arith.constant 0 : index
        %get3A_472 = tpu.vector_load %arg11[%get3A_470, %get3A_471] {strides = array<i32>} : memref<640x64xf32, #tpu.memory_space<vmem>>, vector<16xf32>,
        %mul3A_473 = arith.mulf %get3A_472, %get3A_117 : vector<16xf32>
        %get3A_474 = arith.index_cast %add3A_469 : i32 to index
        %get3A_475 = arith.constant 16 : index
        %get3A_476 = tpu.vector_load %arg11[%get3A_474, %get3A_475] {strides = array<i32>} : memref<640x64xf32, #tpu.memory_space<vmem>>, vector<16xf32>,
        %mul3A_477 = arith.mulf %get3A_476, %get3A_120 : vector<16xf32>
        %add3A_478 = arith.addf %mul3A_473, %mul3A_477 : vector<16xf32>
        %get3A_479 = arith.index_cast %add3A_469 : i32 to index
        %get3A_480 = arith.constant 32 : index
        %get3A_481 = tpu.vector_load %arg11[%get3A_479, %get3A_480] {strides = array<i32>} : memref<640x64xf32, #tpu.memory_space<vmem>>, vector<16xf32>,
        %mul3A_482 = arith.mulf %get3A_481, %get3A_123 : vector<16xf32>
        %add3A_483 = arith.addf %add3A_478, %mul3A_482 : vector<16xf32>
        %get3A_484 = arith.index_cast %add3A_469 : i32 to index
        %get3A_485 = arith.constant 48 : index
        %get3A_486 = tpu.vector_load %arg11[%get3A_484, %get3A_485] {strides = array<i32>} : memref<640x64xf32, #tpu.memory_space<vmem>>, vector<16xf32>,
        %mul3A_487 = arith.mulf %get3A_486, %get3A_126 : vector<16xf32>
        %add3A_488 = arith.addf %add3A_483, %mul3A_487 : vector<16xf32>
        %broadcast_in_dim3A_489 = arith.constant true
        %broadcast_in_dim3A_490 = vector.broadcast %broadcast_in_dim3A_489 : i1 to vector<16xi1>
        %masked_cumsum3A_491 = tpu.scan <sum>, %add3A_488 masked %broadcast_in_dim3A_490 : vector<16xf32>, vector<16xi1> -> vector<16xf32>
        %mul3A_492 = arith.constant 20 : i32
        %mul3A_493 = arith.muli %scan3A_114, %mul3A_492 : i32
        %add3A_494 = arith.constant 11 : i32
        %add3A_495 = arith.addi %mul3A_493, %add3A_494 : i32
        %broadcast_in_dim3A_496 = vector.broadcast %add3A_495 : i32 to vector<16xi32>
        tpu.vector_store_idx %arg12[%broadcast_in_dim3A_496], %masked_cumsum3A_491 masked %eq3A_101 : memref<320xf32, #tpu.memory_space<vmem>>[vector<16xi32>], vector<16xf32>, vector<16xi1>
        %mul3A_497 = arith.constant 40 : i32
        %mul3A_498 = arith.muli %scan3A_114, %mul3A_497 : i32
        %add3A_499 = arith.constant 12 : i32
        %add3A_500 = arith.addi %mul3A_498, %add3A_499 : i32
        %get3A_501 = arith.index_cast %add3A_500 : i32 to index
        %get3A_502 = arith.constant 0 : index
        %get3A_503 = tpu.vector_load %arg11[%get3A_501, %get3A_502] {strides = array<i32>} : memref<640x64xf32, #tpu.memory_space<vmem>>, vector<16xf32>,
        %mul3A_504 = arith.mulf %get3A_503, %get3A_117 : vector<16xf32>
        %get3A_505 = arith.index_cast %add3A_500 : i32 to index
        %get3A_506 = arith.constant 16 : index
        %get3A_507 = tpu.vector_load %arg11[%get3A_505, %get3A_506] {strides = array<i32>} : memref<640x64xf32, #tpu.memory_space<vmem>>, vector<16xf32>,
        %mul3A_508 = arith.mulf %get3A_507, %get3A_120 : vector<16xf32>
        %add3A_509 = arith.addf %mul3A_504, %mul3A_508 : vector<16xf32>
        %get3A_510 = arith.index_cast %add3A_500 : i32 to index
        %get3A_511 = arith.constant 32 : index
        %get3A_512 = tpu.vector_load %arg11[%get3A_510, %get3A_511] {strides = array<i32>} : memref<640x64xf32, #tpu.memory_space<vmem>>, vector<16xf32>,
        %mul3A_513 = arith.mulf %get3A_512, %get3A_123 : vector<16xf32>
        %add3A_514 = arith.addf %add3A_509, %mul3A_513 : vector<16xf32>
        %get3A_515 = arith.index_cast %add3A_500 : i32 to index
        %get3A_516 = arith.constant 48 : index
        %get3A_517 = tpu.vector_load %arg11[%get3A_515, %get3A_516] {strides = array<i32>} : memref<640x64xf32, #tpu.memory_space<vmem>>, vector<16xf32>,
        %mul3A_518 = arith.mulf %get3A_517, %get3A_126 : vector<16xf32>
        %add3A_519 = arith.addf %add3A_514, %mul3A_518 : vector<16xf32>
        %broadcast_in_dim3A_520 = arith.constant true
        %broadcast_in_dim3A_521 = vector.broadcast %broadcast_in_dim3A_520 : i1 to vector<16xi1>
        %masked_cumsum3A_522 = tpu.scan <sum>, %add3A_519 masked %broadcast_in_dim3A_521 : vector<16xf32>, vector<16xi1> -> vector<16xf32>
        %mul3A_523 = arith.constant 20 : i32
        %mul3A_524 = arith.muli %scan3A_114, %mul3A_523 : i32
        %add3A_525 = arith.constant 12 : i32
        %add3A_526 = arith.addi %mul3A_524, %add3A_525 : i32
        %broadcast_in_dim3A_527 = vector.broadcast %add3A_526 : i32 to vector<16xi32>
        tpu.vector_store_idx %arg12[%broadcast_in_dim3A_527], %masked_cumsum3A_522 masked %eq3A_101 : memref<320xf32, #tpu.memory_space<vmem>>[vector<16xi32>], vector<16xf32>, vector<16xi1>
        %mul3A_528 = arith.constant 40 : i32
        %mul3A_529 = arith.muli %scan3A_114, %mul3A_528 : i32
        %add3A_530 = arith.constant 13 : i32
        %add3A_531 = arith.addi %mul3A_529, %add3A_530 : i32
        %get3A_532 = arith.index_cast %add3A_531 : i32 to index
        %get3A_533 = arith.constant 0 : index
        %get3A_534 = tpu.vector_load %arg11[%get3A_532, %get3A_533] {strides = array<i32>} : memref<640x64xf32, #tpu.memory_space<vmem>>, vector<16xf32>,
        %mul3A_535 = arith.mulf %get3A_534, %get3A_117 : vector<16xf32>
        %get3A_536 = arith.index_cast %add3A_531 : i32 to index
        %get3A_537 = arith.constant 16 : index
        %get3A_538 = tpu.vector_load %arg11[%get3A_536, %get3A_537] {strides = array<i32>} : memref<640x64xf32, #tpu.memory_space<vmem>>, vector<16xf32>,
        %mul3A_539 = arith.mulf %get3A_538, %get3A_120 : vector<16xf32>
        %add3A_540 = arith.addf %mul3A_535, %mul3A_539 : vector<16xf32>
        %get3A_541 = arith.index_cast %add3A_531 : i32 to index
        %get3A_542 = arith.constant 32 : index
        %get3A_543 = tpu.vector_load %arg11[%get3A_541, %get3A_542] {strides = array<i32>} : memref<640x64xf32, #tpu.memory_space<vmem>>, vector<16xf32>,
        %mul3A_544 = arith.mulf %get3A_543, %get3A_123 : vector<16xf32>
        %add3A_545 = arith.addf %add3A_540, %mul3A_544 : vector<16xf32>
        %get3A_546 = arith.index_cast %add3A_531 : i32 to index
        %get3A_547 = arith.constant 48 : index
        %get3A_548 = tpu.vector_load %arg11[%get3A_546, %get3A_547] {strides = array<i32>} : memref<640x64xf32, #tpu.memory_space<vmem>>, vector<16xf32>,
        %mul3A_549 = arith.mulf %get3A_548, %get3A_126 : vector<16xf32>
        %add3A_550 = arith.addf %add3A_545, %mul3A_549 : vector<16xf32>
        %broadcast_in_dim3A_551 = arith.constant true
        %broadcast_in_dim3A_552 = vector.broadcast %broadcast_in_dim3A_551 : i1 to vector<16xi1>
        %masked_cumsum3A_553 = tpu.scan <sum>, %add3A_550 masked %broadcast_in_dim3A_552 : vector<16xf32>, vector<16xi1> -> vector<16xf32>
        %mul3A_554 = arith.constant 20 : i32
        %mul3A_555 = arith.muli %scan3A_114, %mul3A_554 : i32
        %add3A_556 = arith.constant 13 : i32
        %add3A_557 = arith.addi %mul3A_555, %add3A_556 : i32
        %broadcast_in_dim3A_558 = vector.broadcast %add3A_557 : i32 to vector<16xi32>
        tpu.vector_store_idx %arg12[%broadcast_in_dim3A_558], %masked_cumsum3A_553 masked %eq3A_101 : memref<320xf32, #tpu.memory_space<vmem>>[vector<16xi32>], vector<16xf32>, vector<16xi1>
        %mul3A_559 = arith.constant 40 : i32
        %mul3A_560 = arith.muli %scan3A_114, %mul3A_559 : i32
        %add3A_561 = arith.constant 14 : i32
        %add3A_562 = arith.addi %mul3A_560, %add3A_561 : i32
        %get3A_563 = arith.index_cast %add3A_562 : i32 to index
        %get3A_564 = arith.constant 0 : index
        %get3A_565 = tpu.vector_load %arg11[%get3A_563, %get3A_564] {strides = array<i32>} : memref<640x64xf32, #tpu.memory_space<vmem>>, vector<16xf32>,
        %mul3A_566 = arith.mulf %get3A_565, %get3A_117 : vector<16xf32>
        %get3A_567 = arith.index_cast %add3A_562 : i32 to index
        %get3A_568 = arith.constant 16 : index
        %get3A_569 = tpu.vector_load %arg11[%get3A_567, %get3A_568] {strides = array<i32>} : memref<640x64xf32, #tpu.memory_space<vmem>>, vector<16xf32>,
        %mul3A_570 = arith.mulf %get3A_569, %get3A_120 : vector<16xf32>
        %add3A_571 = arith.addf %mul3A_566, %mul3A_570 : vector<16xf32>
        %get3A_572 = arith.index_cast %add3A_562 : i32 to index
        %get3A_573 = arith.constant 32 : index
        %get3A_574 = tpu.vector_load %arg11[%get3A_572, %get3A_573] {strides = array<i32>} : memref<640x64xf32, #tpu.memory_space<vmem>>, vector<16xf32>,
        %mul3A_575 = arith.mulf %get3A_574, %get3A_123 : vector<16xf32>
        %add3A_576 = arith.addf %add3A_571, %mul3A_575 : vector<16xf32>
        %get3A_577 = arith.index_cast %add3A_562 : i32 to index
        %get3A_578 = arith.constant 48 : index
        %get3A_579 = tpu.vector_load %arg11[%get3A_577, %get3A_578] {strides = array<i32>} : memref<640x64xf32, #tpu.memory_space<vmem>>, vector<16xf32>,
        %mul3A_580 = arith.mulf %get3A_579, %get3A_126 : vector<16xf32>
        %add3A_581 = arith.addf %add3A_576, %mul3A_580 : vector<16xf32>
        %broadcast_in_dim3A_582 = arith.constant true
        %broadcast_in_dim3A_583 = vector.broadcast %broadcast_in_dim3A_582 : i1 to vector<16xi1>
        %masked_cumsum3A_584 = tpu.scan <sum>, %add3A_581 masked %broadcast_in_dim3A_583 : vector<16xf32>, vector<16xi1> -> vector<16xf32>
        %mul3A_585 = arith.constant 20 : i32
        %mul3A_586 = arith.muli %scan3A_114, %mul3A_585 : i32
        %add3A_587 = arith.constant 14 : i32
        %add3A_588 = arith.addi %mul3A_586, %add3A_587 : i32
        %broadcast_in_dim3A_589 = vector.broadcast %add3A_588 : i32 to vector<16xi32>
        tpu.vector_store_idx %arg12[%broadcast_in_dim3A_589], %masked_cumsum3A_584 masked %eq3A_101 : memref<320xf32, #tpu.memory_space<vmem>>[vector<16xi32>], vector<16xf32>, vector<16xi1>
        %mul3A_590 = arith.constant 40 : i32
        %mul3A_591 = arith.muli %scan3A_114, %mul3A_590 : i32
        %add3A_592 = arith.constant 15 : i32
        %add3A_593 = arith.addi %mul3A_591, %add3A_592 : i32
        %get3A_594 = arith.index_cast %add3A_593 : i32 to index
        %get3A_595 = arith.constant 0 : index
        %get3A_596 = tpu.vector_load %arg11[%get3A_594, %get3A_595] {strides = array<i32>} : memref<640x64xf32, #tpu.memory_space<vmem>>, vector<16xf32>,
        %mul3A_597 = arith.mulf %get3A_596, %get3A_117 : vector<16xf32>
        %get3A_598 = arith.index_cast %add3A_593 : i32 to index
        %get3A_599 = arith.constant 16 : index
        %get3A_600 = tpu.vector_load %arg11[%get3A_598, %get3A_599] {strides = array<i32>} : memref<640x64xf32, #tpu.memory_space<vmem>>, vector<16xf32>,
        %mul3A_601 = arith.mulf %get3A_600, %get3A_120 : vector<16xf32>
        %add3A_602 = arith.addf %mul3A_597, %mul3A_601 : vector<16xf32>
        %get3A_603 = arith.index_cast %add3A_593 : i32 to index
        %get3A_604 = arith.constant 32 : index
        %get3A_605 = tpu.vector_load %arg11[%get3A_603, %get3A_604] {strides = array<i32>} : memref<640x64xf32, #tpu.memory_space<vmem>>, vector<16xf32>,
        %mul3A_606 = arith.mulf %get3A_605, %get3A_123 : vector<16xf32>
        %add3A_607 = arith.addf %add3A_602, %mul3A_606 : vector<16xf32>
        %get3A_608 = arith.index_cast %add3A_593 : i32 to index
        %get3A_609 = arith.constant 48 : index
        %get3A_610 = tpu.vector_load %arg11[%get3A_608, %get3A_609] {strides = array<i32>} : memref<640x64xf32, #tpu.memory_space<vmem>>, vector<16xf32>,
        %mul3A_611 = arith.mulf %get3A_610, %get3A_126 : vector<16xf32>
        %add3A_612 = arith.addf %add3A_607, %mul3A_611 : vector<16xf32>
        %broadcast_in_dim3A_613 = arith.constant true
        %broadcast_in_dim3A_614 = vector.broadcast %broadcast_in_dim3A_613 : i1 to vector<16xi1>
        %masked_cumsum3A_615 = tpu.scan <sum>, %add3A_612 masked %broadcast_in_dim3A_614 : vector<16xf32>, vector<16xi1> -> vector<16xf32>
        %mul3A_616 = arith.constant 20 : i32
        %mul3A_617 = arith.muli %scan3A_114, %mul3A_616 : i32
        %add3A_618 = arith.constant 15 : i32
        %add3A_619 = arith.addi %mul3A_617, %add3A_618 : i32
        %broadcast_in_dim3A_620 = vector.broadcast %add3A_619 : i32 to vector<16xi32>
        tpu.vector_store_idx %arg12[%broadcast_in_dim3A_620], %masked_cumsum3A_615 masked %eq3A_101 : memref<320xf32, #tpu.memory_space<vmem>>[vector<16xi32>], vector<16xf32>, vector<16xi1>
        %mul3A_621 = arith.constant 40 : i32
        %mul3A_622 = arith.muli %scan3A_114, %mul3A_621 : i32
        %add3A_623 = arith.constant 16 : i32
        %add3A_624 = arith.addi %mul3A_622, %add3A_623 : i32
        %get3A_625 = arith.index_cast %add3A_624 : i32 to index
        %get3A_626 = arith.constant 0 : index
        %get3A_627 = tpu.vector_load %arg11[%get3A_625, %get3A_626] {strides = array<i32>} : memref<640x64xf32, #tpu.memory_space<vmem>>, vector<16xf32>,
        %mul3A_628 = arith.mulf %get3A_627, %get3A_117 : vector<16xf32>
        %get3A_629 = arith.index_cast %add3A_624 : i32 to index
        %get3A_630 = arith.constant 16 : index
        %get3A_631 = tpu.vector_load %arg11[%get3A_629, %get3A_630] {strides = array<i32>} : memref<640x64xf32, #tpu.memory_space<vmem>>, vector<16xf32>,
        %mul3A_632 = arith.mulf %get3A_631, %get3A_120 : vector<16xf32>
        %add3A_633 = arith.addf %mul3A_628, %mul3A_632 : vector<16xf32>
        %get3A_634 = arith.index_cast %add3A_624 : i32 to index
        %get3A_635 = arith.constant 32 : index
        %get3A_636 = tpu.vector_load %arg11[%get3A_634, %get3A_635] {strides = array<i32>} : memref<640x64xf32, #tpu.memory_space<vmem>>, vector<16xf32>,
        %mul3A_637 = arith.mulf %get3A_636, %get3A_123 : vector<16xf32>
        %add3A_638 = arith.addf %add3A_633, %mul3A_637 : vector<16xf32>
        %get3A_639 = arith.index_cast %add3A_624 : i32 to index
        %get3A_640 = arith.constant 48 : index
        %get3A_641 = tpu.vector_load %arg11[%get3A_639, %get3A_640] {strides = array<i32>} : memref<640x64xf32, #tpu.memory_space<vmem>>, vector<16xf32>,
        %mul3A_642 = arith.mulf %get3A_641, %get3A_126 : vector<16xf32>
        %add3A_643 = arith.addf %add3A_638, %mul3A_642 : vector<16xf32>
        %broadcast_in_dim3A_644 = arith.constant true
        %broadcast_in_dim3A_645 = vector.broadcast %broadcast_in_dim3A_644 : i1 to vector<16xi1>
        %masked_cumsum3A_646 = tpu.scan <sum>, %add3A_643 masked %broadcast_in_dim3A_645 : vector<16xf32>, vector<16xi1> -> vector<16xf32>
        %mul3A_647 = arith.constant 20 : i32
        %mul3A_648 = arith.muli %scan3A_114, %mul3A_647 : i32
        %add3A_649 = arith.constant 16 : i32
        %add3A_650 = arith.addi %mul3A_648, %add3A_649 : i32
        %broadcast_in_dim3A_651 = vector.broadcast %add3A_650 : i32 to vector<16xi32>
        tpu.vector_store_idx %arg12[%broadcast_in_dim3A_651], %masked_cumsum3A_646 masked %eq3A_101 : memref<320xf32, #tpu.memory_space<vmem>>[vector<16xi32>], vector<16xf32>, vector<16xi1>
        %mul3A_652 = arith.constant 40 : i32
        %mul3A_653 = arith.muli %scan3A_114, %mul3A_652 : i32
        %add3A_654 = arith.constant 17 : i32
        %add3A_655 = arith.addi %mul3A_653, %add3A_654 : i32
        %get3A_656 = arith.index_cast %add3A_655 : i32 to index
        %get3A_657 = arith.constant 0 : index
        %get3A_658 = tpu.vector_load %arg11[%get3A_656, %get3A_657] {strides = array<i32>} : memref<640x64xf32, #tpu.memory_space<vmem>>, vector<16xf32>,
        %mul3A_659 = arith.mulf %get3A_658, %get3A_117 : vector<16xf32>
        %get3A_660 = arith.index_cast %add3A_655 : i32 to index
        %get3A_661 = arith.constant 16 : index
        %get3A_662 = tpu.vector_load %arg11[%get3A_660, %get3A_661] {strides = array<i32>} : memref<640x64xf32, #tpu.memory_space<vmem>>, vector<16xf32>,
        %mul3A_663 = arith.mulf %get3A_662, %get3A_120 : vector<16xf32>
        %add3A_664 = arith.addf %mul3A_659, %mul3A_663 : vector<16xf32>
        %get3A_665 = arith.index_cast %add3A_655 : i32 to index
        %get3A_666 = arith.constant 32 : index
        %get3A_667 = tpu.vector_load %arg11[%get3A_665, %get3A_666] {strides = array<i32>} : memref<640x64xf32, #tpu.memory_space<vmem>>, vector<16xf32>,
        %mul3A_668 = arith.mulf %get3A_667, %get3A_123 : vector<16xf32>
        %add3A_669 = arith.addf %add3A_664, %mul3A_668 : vector<16xf32>
        %get3A_670 = arith.index_cast %add3A_655 : i32 to index
        %get3A_671 = arith.constant 48 : index
        %get3A_672 = tpu.vector_load %arg11[%get3A_670, %get3A_671] {strides = array<i32>} : memref<640x64xf32, #tpu.memory_space<vmem>>, vector<16xf32>,
        %mul3A_673 = arith.mulf %get3A_672, %get3A_126 : vector<16xf32>
        %add3A_674 = arith.addf %add3A_669, %mul3A_673 : vector<16xf32>
        %broadcast_in_dim3A_675 = arith.constant true
        %broadcast_in_dim3A_676 = vector.broadcast %broadcast_in_dim3A_675 : i1 to vector<16xi1>
        %masked_cumsum3A_677 = tpu.scan <sum>, %add3A_674 masked %broadcast_in_dim3A_676 : vector<16xf32>, vector<16xi1> -> vector<16xf32>
        %mul3A_678 = arith.constant 20 : i32
        %mul3A_679 = arith.muli %scan3A_114, %mul3A_678 : i32
        %add3A_680 = arith.constant 17 : i32
        %add3A_681 = arith.addi %mul3A_679, %add3A_680 : i32
        %broadcast_in_dim3A_682 = vector.broadcast %add3A_681 : i32 to vector<16xi32>
        tpu.vector_store_idx %arg12[%broadcast_in_dim3A_682], %masked_cumsum3A_677 masked %eq3A_101 : memref<320xf32, #tpu.memory_space<vmem>>[vector<16xi32>], vector<16xf32>, vector<16xi1>
        %mul3A_683 = arith.constant 40 : i32
        %mul3A_684 = arith.muli %scan3A_114, %mul3A_683 : i32
        %add3A_685 = arith.constant 18 : i32
        %add3A_686 = arith.addi %mul3A_684, %add3A_685 : i32
        %get3A_687 = arith.index_cast %add3A_686 : i32 to index
        %get3A_688 = arith.constant 0 : index
        %get3A_689 = tpu.vector_load %arg11[%get3A_687, %get3A_688] {strides = array<i32>} : memref<640x64xf32, #tpu.memory_space<vmem>>, vector<16xf32>,
        %mul3A_690 = arith.mulf %get3A_689, %get3A_117 : vector<16xf32>
        %get3A_691 = arith.index_cast %add3A_686 : i32 to index
        %get3A_692 = arith.constant 16 : index
        %get3A_693 = tpu.vector_load %arg11[%get3A_691, %get3A_692] {strides = array<i32>} : memref<640x64xf32, #tpu.memory_space<vmem>>, vector<16xf32>,
        %mul3A_694 = arith.mulf %get3A_693, %get3A_120 : vector<16xf32>
        %add3A_695 = arith.addf %mul3A_690, %mul3A_694 : vector<16xf32>
        %get3A_696 = arith.index_cast %add3A_686 : i32 to index
        %get3A_697 = arith.constant 32 : index
        %get3A_698 = tpu.vector_load %arg11[%get3A_696, %get3A_697] {strides = array<i32>} : memref<640x64xf32, #tpu.memory_space<vmem>>, vector<16xf32>,
        %mul3A_699 = arith.mulf %get3A_698, %get3A_123 : vector<16xf32>
        %add3A_700 = arith.addf %add3A_695, %mul3A_699 : vector<16xf32>
        %get3A_701 = arith.index_cast %add3A_686 : i32 to index
        %get3A_702 = arith.constant 48 : index
        %get3A_703 = tpu.vector_load %arg11[%get3A_701, %get3A_702] {strides = array<i32>} : memref<640x64xf32, #tpu.memory_space<vmem>>, vector<16xf32>,
        %mul3A_704 = arith.mulf %get3A_703, %get3A_126 : vector<16xf32>
        %add3A_705 = arith.addf %add3A_700, %mul3A_704 : vector<16xf32>
        %broadcast_in_dim3A_706 = arith.constant true
        %broadcast_in_dim3A_707 = vector.broadcast %broadcast_in_dim3A_706 : i1 to vector<16xi1>
        %masked_cumsum3A_708 = tpu.scan <sum>, %add3A_705 masked %broadcast_in_dim3A_707 : vector<16xf32>, vector<16xi1> -> vector<16xf32>
        %mul3A_709 = arith.constant 20 : i32
        %mul3A_710 = arith.muli %scan3A_114, %mul3A_709 : i32
        %add3A_711 = arith.constant 18 : i32
        %add3A_712 = arith.addi %mul3A_710, %add3A_711 : i32
        %broadcast_in_dim3A_713 = vector.broadcast %add3A_712 : i32 to vector<16xi32>
        tpu.vector_store_idx %arg12[%broadcast_in_dim3A_713], %masked_cumsum3A_708 masked %eq3A_101 : memref<320xf32, #tpu.memory_space<vmem>>[vector<16xi32>], vector<16xf32>, vector<16xi1>
        %mul3A_714 = arith.constant 40 : i32
        %mul3A_715 = arith.muli %scan3A_114, %mul3A_714 : i32
        %add3A_716 = arith.constant 19 : i32
        %add3A_717 = arith.addi %mul3A_715, %add3A_716 : i32
        %get3A_718 = arith.index_cast %add3A_717 : i32 to index
        %get3A_719 = arith.constant 0 : index
        %get3A_720 = tpu.vector_load %arg11[%get3A_718, %get3A_719] {strides = array<i32>} : memref<640x64xf32, #tpu.memory_space<vmem>>, vector<16xf32>,
        %mul3A_721 = arith.mulf %get3A_720, %get3A_117 : vector<16xf32>
        %get3A_722 = arith.index_cast %add3A_717 : i32 to index
        %get3A_723 = arith.constant 16 : index
        %get3A_724 = tpu.vector_load %arg11[%get3A_722, %get3A_723] {strides = array<i32>} : memref<640x64xf32, #tpu.memory_space<vmem>>, vector<16xf32>,
        %mul3A_725 = arith.mulf %get3A_724, %get3A_120 : vector<16xf32>
        %add3A_726 = arith.addf %mul3A_721, %mul3A_725 : vector<16xf32>
        %get3A_727 = arith.index_cast %add3A_717 : i32 to index
        %get3A_728 = arith.constant 32 : index
        %get3A_729 = tpu.vector_load %arg11[%get3A_727, %get3A_728] {strides = array<i32>} : memref<640x64xf32, #tpu.memory_space<vmem>>, vector<16xf32>,
        %mul3A_730 = arith.mulf %get3A_729, %get3A_123 : vector<16xf32>
        %add3A_731 = arith.addf %add3A_726, %mul3A_730 : vector<16xf32>
        %get3A_732 = arith.index_cast %add3A_717 : i32 to index
        %get3A_733 = arith.constant 48 : index
        %get3A_734 = tpu.vector_load %arg11[%get3A_732, %get3A_733] {strides = array<i32>} : memref<640x64xf32, #tpu.memory_space<vmem>>, vector<16xf32>,
        %mul3A_735 = arith.mulf %get3A_734, %get3A_126 : vector<16xf32>
        %add3A_736 = arith.addf %add3A_731, %mul3A_735 : vector<16xf32>
        %broadcast_in_dim3A_737 = arith.constant true
        %broadcast_in_dim3A_738 = vector.broadcast %broadcast_in_dim3A_737 : i1 to vector<16xi1>
        %masked_cumsum3A_739 = tpu.scan <sum>, %add3A_736 masked %broadcast_in_dim3A_738 : vector<16xf32>, vector<16xi1> -> vector<16xf32>
        %mul3A_740 = arith.constant 20 : i32
        %mul3A_741 = arith.muli %scan3A_114, %mul3A_740 : i32
        %add3A_742 = arith.constant 19 : i32
        %add3A_743 = arith.addi %mul3A_741, %add3A_742 : i32
        %broadcast_in_dim3A_744 = vector.broadcast %add3A_743 : i32 to vector<16xi32>
        tpu.vector_store_idx %arg12[%broadcast_in_dim3A_744], %masked_cumsum3A_739 masked %eq3A_101 : memref<320xf32, #tpu.memory_space<vmem>>[vector<16xi32>], vector<16xf32>, vector<16xi1>
        %mul3A_745 = arith.constant 40 : i32
        %mul3A_746 = arith.muli %scan3A_114, %mul3A_745 : i32
        %add3A_747 = arith.constant 20 : i32
        %add3A_748 = arith.addi %mul3A_746, %add3A_747 : i32
        %get3A_749 = arith.index_cast %add3A_748 : i32 to index
        %get3A_750 = arith.constant 0 : index
        %get3A_751 = tpu.vector_load %arg11[%get3A_749, %get3A_750] {strides = array<i32>} : memref<640x64xf32, #tpu.memory_space<vmem>>, vector<16xf32>,
        %mul3A_752 = arith.mulf %get3A_751, %get3A_117 : vector<16xf32>
        %get3A_753 = arith.index_cast %add3A_748 : i32 to index
        %get3A_754 = arith.constant 16 : index
        %get3A_755 = tpu.vector_load %arg11[%get3A_753, %get3A_754] {strides = array<i32>} : memref<640x64xf32, #tpu.memory_space<vmem>>, vector<16xf32>,
        %mul3A_756 = arith.mulf %get3A_755, %get3A_120 : vector<16xf32>
        %add3A_757 = arith.addf %mul3A_752, %mul3A_756 : vector<16xf32>
        %get3A_758 = arith.index_cast %add3A_748 : i32 to index
        %get3A_759 = arith.constant 32 : index
        %get3A_760 = tpu.vector_load %arg11[%get3A_758, %get3A_759] {strides = array<i32>} : memref<640x64xf32, #tpu.memory_space<vmem>>, vector<16xf32>,
        %mul3A_761 = arith.mulf %get3A_760, %get3A_123 : vector<16xf32>
        %add3A_762 = arith.addf %add3A_757, %mul3A_761 : vector<16xf32>
        %get3A_763 = arith.index_cast %add3A_748 : i32 to index
        %get3A_764 = arith.constant 48 : index
        %get3A_765 = tpu.vector_load %arg11[%get3A_763, %get3A_764] {strides = array<i32>} : memref<640x64xf32, #tpu.memory_space<vmem>>, vector<16xf32>,
        %mul3A_766 = arith.mulf %get3A_765, %get3A_126 : vector<16xf32>
        %add3A_767 = arith.addf %add3A_762, %mul3A_766 : vector<16xf32>
        %broadcast_in_dim3A_768 = arith.constant true
        %broadcast_in_dim3A_769 = vector.broadcast %broadcast_in_dim3A_768 : i1 to vector<16xi1>
        %masked_cumsum3A_770 = tpu.scan <sum>, %add3A_767 masked %broadcast_in_dim3A_769 : vector<16xf32>, vector<16xi1> -> vector<16xf32>
        %mul3A_771 = arith.constant 20 : i32
        %mul3A_772 = arith.muli %scan3A_114, %mul3A_771 : i32
        %add3A_773 = arith.constant 0 : i32
        %add3A_774 = arith.addi %mul3A_772, %add3A_773 : i32
        %broadcast_in_dim3A_775 = vector.broadcast %add3A_774 : i32 to vector<16xi32>
        tpu.vector_store_idx %arg13[%broadcast_in_dim3A_775], %masked_cumsum3A_770 masked %eq3A_101 : memref<320xf32, #tpu.memory_space<vmem>>[vector<16xi32>], vector<16xf32>, vector<16xi1>
        %mul3A_776 = arith.constant 40 : i32
        %mul3A_777 = arith.muli %scan3A_114, %mul3A_776 : i32
        %add3A_778 = arith.constant 21 : i32
        %add3A_779 = arith.addi %mul3A_777, %add3A_778 : i32
        %get3A_780 = arith.index_cast %add3A_779 : i32 to index
        %get3A_781 = arith.constant 0 : index
        %get3A_782 = tpu.vector_load %arg11[%get3A_780, %get3A_781] {strides = array<i32>} : memref<640x64xf32, #tpu.memory_space<vmem>>, vector<16xf32>,
        %mul3A_783 = arith.mulf %get3A_782, %get3A_117 : vector<16xf32>
        %get3A_784 = arith.index_cast %add3A_779 : i32 to index
        %get3A_785 = arith.constant 16 : index
        %get3A_786 = tpu.vector_load %arg11[%get3A_784, %get3A_785] {strides = array<i32>} : memref<640x64xf32, #tpu.memory_space<vmem>>, vector<16xf32>,
        %mul3A_787 = arith.mulf %get3A_786, %get3A_120 : vector<16xf32>
        %add3A_788 = arith.addf %mul3A_783, %mul3A_787 : vector<16xf32>
        %get3A_789 = arith.index_cast %add3A_779 : i32 to index
        %get3A_790 = arith.constant 32 : index
        %get3A_791 = tpu.vector_load %arg11[%get3A_789, %get3A_790] {strides = array<i32>} : memref<640x64xf32, #tpu.memory_space<vmem>>, vector<16xf32>,
        %mul3A_792 = arith.mulf %get3A_791, %get3A_123 : vector<16xf32>
        %add3A_793 = arith.addf %add3A_788, %mul3A_792 : vector<16xf32>
        %get3A_794 = arith.index_cast %add3A_779 : i32 to index
        %get3A_795 = arith.constant 48 : index
        %get3A_796 = tpu.vector_load %arg11[%get3A_794, %get3A_795] {strides = array<i32>} : memref<640x64xf32, #tpu.memory_space<vmem>>, vector<16xf32>,
        %mul3A_797 = arith.mulf %get3A_796, %get3A_126 : vector<16xf32>
        %add3A_798 = arith.addf %add3A_793, %mul3A_797 : vector<16xf32>
        %broadcast_in_dim3A_799 = arith.constant true
        %broadcast_in_dim3A_800 = vector.broadcast %broadcast_in_dim3A_799 : i1 to vector<16xi1>
        %masked_cumsum3A_801 = tpu.scan <sum>, %add3A_798 masked %broadcast_in_dim3A_800 : vector<16xf32>, vector<16xi1> -> vector<16xf32>
        %mul3A_802 = arith.constant 20 : i32
        %mul3A_803 = arith.muli %scan3A_114, %mul3A_802 : i32
        %add3A_804 = arith.constant 1 : i32
        %add3A_805 = arith.addi %mul3A_803, %add3A_804 : i32
        %broadcast_in_dim3A_806 = vector.broadcast %add3A_805 : i32 to vector<16xi32>
        tpu.vector_store_idx %arg13[%broadcast_in_dim3A_806], %masked_cumsum3A_801 masked %eq3A_101 : memref<320xf32, #tpu.memory_space<vmem>>[vector<16xi32>], vector<16xf32>, vector<16xi1>
        %mul3A_807 = arith.constant 40 : i32
        %mul3A_808 = arith.muli %scan3A_114, %mul3A_807 : i32
        %add3A_809 = arith.constant 22 : i32
        %add3A_810 = arith.addi %mul3A_808, %add3A_809 : i32
        %get3A_811 = arith.index_cast %add3A_810 : i32 to index
        %get3A_812 = arith.constant 0 : index
        %get3A_813 = tpu.vector_load %arg11[%get3A_811, %get3A_812] {strides = array<i32>} : memref<640x64xf32, #tpu.memory_space<vmem>>, vector<16xf32>,
        %mul3A_814 = arith.mulf %get3A_813, %get3A_117 : vector<16xf32>
        %get3A_815 = arith.index_cast %add3A_810 : i32 to index
        %get3A_816 = arith.constant 16 : index
        %get3A_817 = tpu.vector_load %arg11[%get3A_815, %get3A_816] {strides = array<i32>} : memref<640x64xf32, #tpu.memory_space<vmem>>, vector<16xf32>,
        %mul3A_818 = arith.mulf %get3A_817, %get3A_120 : vector<16xf32>
        %add3A_819 = arith.addf %mul3A_814, %mul3A_818 : vector<16xf32>
        %get3A_820 = arith.index_cast %add3A_810 : i32 to index
        %get3A_821 = arith.constant 32 : index
        %get3A_822 = tpu.vector_load %arg11[%get3A_820, %get3A_821] {strides = array<i32>} : memref<640x64xf32, #tpu.memory_space<vmem>>, vector<16xf32>,
        %mul3A_823 = arith.mulf %get3A_822, %get3A_123 : vector<16xf32>
        %add3A_824 = arith.addf %add3A_819, %mul3A_823 : vector<16xf32>
        %get3A_825 = arith.index_cast %add3A_810 : i32 to index
        %get3A_826 = arith.constant 48 : index
        %get3A_827 = tpu.vector_load %arg11[%get3A_825, %get3A_826] {strides = array<i32>} : memref<640x64xf32, #tpu.memory_space<vmem>>, vector<16xf32>,
        %mul3A_828 = arith.mulf %get3A_827, %get3A_126 : vector<16xf32>
        %add3A_829 = arith.addf %add3A_824, %mul3A_828 : vector<16xf32>
        %broadcast_in_dim3A_830 = arith.constant true
        %broadcast_in_dim3A_831 = vector.broadcast %broadcast_in_dim3A_830 : i1 to vector<16xi1>
        %masked_cumsum3A_832 = tpu.scan <sum>, %add3A_829 masked %broadcast_in_dim3A_831 : vector<16xf32>, vector<16xi1> -> vector<16xf32>
        %mul3A_833 = arith.constant 20 : i32
        %mul3A_834 = arith.muli %scan3A_114, %mul3A_833 : i32
        %add3A_835 = arith.constant 2 : i32
        %add3A_836 = arith.addi %mul3A_834, %add3A_835 : i32
        %broadcast_in_dim3A_837 = vector.broadcast %add3A_836 : i32 to vector<16xi32>
        tpu.vector_store_idx %arg13[%broadcast_in_dim3A_837], %masked_cumsum3A_832 masked %eq3A_101 : memref<320xf32, #tpu.memory_space<vmem>>[vector<16xi32>], vector<16xf32>, vector<16xi1>
        %mul3A_838 = arith.constant 40 : i32
        %mul3A_839 = arith.muli %scan3A_114, %mul3A_838 : i32
        %add3A_840 = arith.constant 23 : i32
        %add3A_841 = arith.addi %mul3A_839, %add3A_840 : i32
        %get3A_842 = arith.index_cast %add3A_841 : i32 to index
        %get3A_843 = arith.constant 0 : index
        %get3A_844 = tpu.vector_load %arg11[%get3A_842, %get3A_843] {strides = array<i32>} : memref<640x64xf32, #tpu.memory_space<vmem>>, vector<16xf32>,
        %mul3A_845 = arith.mulf %get3A_844, %get3A_117 : vector<16xf32>
        %get3A_846 = arith.index_cast %add3A_841 : i32 to index
        %get3A_847 = arith.constant 16 : index
        %get3A_848 = tpu.vector_load %arg11[%get3A_846, %get3A_847] {strides = array<i32>} : memref<640x64xf32, #tpu.memory_space<vmem>>, vector<16xf32>,
        %mul3A_849 = arith.mulf %get3A_848, %get3A_120 : vector<16xf32>
        %add3A_850 = arith.addf %mul3A_845, %mul3A_849 : vector<16xf32>
        %get3A_851 = arith.index_cast %add3A_841 : i32 to index
        %get3A_852 = arith.constant 32 : index
        %get3A_853 = tpu.vector_load %arg11[%get3A_851, %get3A_852] {strides = array<i32>} : memref<640x64xf32, #tpu.memory_space<vmem>>, vector<16xf32>,
        %mul3A_854 = arith.mulf %get3A_853, %get3A_123 : vector<16xf32>
        %add3A_855 = arith.addf %add3A_850, %mul3A_854 : vector<16xf32>
        %get3A_856 = arith.index_cast %add3A_841 : i32 to index
        %get3A_857 = arith.constant 48 : index
        %get3A_858 = tpu.vector_load %arg11[%get3A_856, %get3A_857] {strides = array<i32>} : memref<640x64xf32, #tpu.memory_space<vmem>>, vector<16xf32>,
        %mul3A_859 = arith.mulf %get3A_858, %get3A_126 : vector<16xf32>
        %add3A_860 = arith.addf %add3A_855, %mul3A_859 : vector<16xf32>
        %broadcast_in_dim3A_861 = arith.constant true
        %broadcast_in_dim3A_862 = vector.broadcast %broadcast_in_dim3A_861 : i1 to vector<16xi1>
        %masked_cumsum3A_863 = tpu.scan <sum>, %add3A_860 masked %broadcast_in_dim3A_862 : vector<16xf32>, vector<16xi1> -> vector<16xf32>
        %mul3A_864 = arith.constant 20 : i32
        %mul3A_865 = arith.muli %scan3A_114, %mul3A_864 : i32
        %add3A_866 = arith.constant 3 : i32
        %add3A_867 = arith.addi %mul3A_865, %add3A_866 : i32
        %broadcast_in_dim3A_868 = vector.broadcast %add3A_867 : i32 to vector<16xi32>
        tpu.vector_store_idx %arg13[%broadcast_in_dim3A_868], %masked_cumsum3A_863 masked %eq3A_101 : memref<320xf32, #tpu.memory_space<vmem>>[vector<16xi32>], vector<16xf32>, vector<16xi1>
        %mul3A_869 = arith.constant 40 : i32
        %mul3A_870 = arith.muli %scan3A_114, %mul3A_869 : i32
        %add3A_871 = arith.constant 24 : i32
        %add3A_872 = arith.addi %mul3A_870, %add3A_871 : i32
        %get3A_873 = arith.index_cast %add3A_872 : i32 to index
        %get3A_874 = arith.constant 0 : index
        %get3A_875 = tpu.vector_load %arg11[%get3A_873, %get3A_874] {strides = array<i32>} : memref<640x64xf32, #tpu.memory_space<vmem>>, vector<16xf32>,
        %mul3A_876 = arith.mulf %get3A_875, %get3A_117 : vector<16xf32>
        %get3A_877 = arith.index_cast %add3A_872 : i32 to index
        %get3A_878 = arith.constant 16 : index
        %get3A_879 = tpu.vector_load %arg11[%get3A_877, %get3A_878] {strides = array<i32>} : memref<640x64xf32, #tpu.memory_space<vmem>>, vector<16xf32>,
        %mul3A_880 = arith.mulf %get3A_879, %get3A_120 : vector<16xf32>
        %add3A_881 = arith.addf %mul3A_876, %mul3A_880 : vector<16xf32>
        %get3A_882 = arith.index_cast %add3A_872 : i32 to index
        %get3A_883 = arith.constant 32 : index
        %get3A_884 = tpu.vector_load %arg11[%get3A_882, %get3A_883] {strides = array<i32>} : memref<640x64xf32, #tpu.memory_space<vmem>>, vector<16xf32>,
        %mul3A_885 = arith.mulf %get3A_884, %get3A_123 : vector<16xf32>
        %add3A_886 = arith.addf %add3A_881, %mul3A_885 : vector<16xf32>
        %get3A_887 = arith.index_cast %add3A_872 : i32 to index
        %get3A_888 = arith.constant 48 : index
        %get3A_889 = tpu.vector_load %arg11[%get3A_887, %get3A_888] {strides = array<i32>} : memref<640x64xf32, #tpu.memory_space<vmem>>, vector<16xf32>,
        %mul3A_890 = arith.mulf %get3A_889, %get3A_126 : vector<16xf32>
        %add3A_891 = arith.addf %add3A_886, %mul3A_890 : vector<16xf32>
        %broadcast_in_dim3A_892 = arith.constant true
        %broadcast_in_dim3A_893 = vector.broadcast %broadcast_in_dim3A_892 : i1 to vector<16xi1>
        %masked_cumsum3A_894 = tpu.scan <sum>, %add3A_891 masked %broadcast_in_dim3A_893 : vector<16xf32>, vector<16xi1> -> vector<16xf32>
        %mul3A_895 = arith.constant 20 : i32
        %mul3A_896 = arith.muli %scan3A_114, %mul3A_895 : i32
        %add3A_897 = arith.constant 4 : i32
        %add3A_898 = arith.addi %mul3A_896, %add3A_897 : i32
        %broadcast_in_dim3A_899 = vector.broadcast %add3A_898 : i32 to vector<16xi32>
        tpu.vector_store_idx %arg13[%broadcast_in_dim3A_899], %masked_cumsum3A_894 masked %eq3A_101 : memref<320xf32, #tpu.memory_space<vmem>>[vector<16xi32>], vector<16xf32>, vector<16xi1>
        %mul3A_900 = arith.constant 40 : i32
        %mul3A_901 = arith.muli %scan3A_114, %mul3A_900 : i32
        %add3A_902 = arith.constant 25 : i32
        %add3A_903 = arith.addi %mul3A_901, %add3A_902 : i32
        %get3A_904 = arith.index_cast %add3A_903 : i32 to index
        %get3A_905 = arith.constant 0 : index
        %get3A_906 = tpu.vector_load %arg11[%get3A_904, %get3A_905] {strides = array<i32>} : memref<640x64xf32, #tpu.memory_space<vmem>>, vector<16xf32>,
        %mul3A_907 = arith.mulf %get3A_906, %get3A_117 : vector<16xf32>
        %get3A_908 = arith.index_cast %add3A_903 : i32 to index
        %get3A_909 = arith.constant 16 : index
        %get3A_910 = tpu.vector_load %arg11[%get3A_908, %get3A_909] {strides = array<i32>} : memref<640x64xf32, #tpu.memory_space<vmem>>, vector<16xf32>,
        %mul3A_911 = arith.mulf %get3A_910, %get3A_120 : vector<16xf32>
        %add3A_912 = arith.addf %mul3A_907, %mul3A_911 : vector<16xf32>
        %get3A_913 = arith.index_cast %add3A_903 : i32 to index
        %get3A_914 = arith.constant 32 : index
        %get3A_915 = tpu.vector_load %arg11[%get3A_913, %get3A_914] {strides = array<i32>} : memref<640x64xf32, #tpu.memory_space<vmem>>, vector<16xf32>,
        %mul3A_916 = arith.mulf %get3A_915, %get3A_123 : vector<16xf32>
        %add3A_917 = arith.addf %add3A_912, %mul3A_916 : vector<16xf32>
        %get3A_918 = arith.index_cast %add3A_903 : i32 to index
        %get3A_919 = arith.constant 48 : index
        %get3A_920 = tpu.vector_load %arg11[%get3A_918, %get3A_919] {strides = array<i32>} : memref<640x64xf32, #tpu.memory_space<vmem>>, vector<16xf32>,
        %mul3A_921 = arith.mulf %get3A_920, %get3A_126 : vector<16xf32>
        %add3A_922 = arith.addf %add3A_917, %mul3A_921 : vector<16xf32>
        %broadcast_in_dim3A_923 = arith.constant true
        %broadcast_in_dim3A_924 = vector.broadcast %broadcast_in_dim3A_923 : i1 to vector<16xi1>
        %masked_cumsum3A_925 = tpu.scan <sum>, %add3A_922 masked %broadcast_in_dim3A_924 : vector<16xf32>, vector<16xi1> -> vector<16xf32>
        %mul3A_926 = arith.constant 20 : i32
        %mul3A_927 = arith.muli %scan3A_114, %mul3A_926 : i32
        %add3A_928 = arith.constant 5 : i32
        %add3A_929 = arith.addi %mul3A_927, %add3A_928 : i32
        %broadcast_in_dim3A_930 = vector.broadcast %add3A_929 : i32 to vector<16xi32>
        tpu.vector_store_idx %arg13[%broadcast_in_dim3A_930], %masked_cumsum3A_925 masked %eq3A_101 : memref<320xf32, #tpu.memory_space<vmem>>[vector<16xi32>], vector<16xf32>, vector<16xi1>
        %mul3A_931 = arith.constant 40 : i32
        %mul3A_932 = arith.muli %scan3A_114, %mul3A_931 : i32
        %add3A_933 = arith.constant 26 : i32
        %add3A_934 = arith.addi %mul3A_932, %add3A_933 : i32
        %get3A_935 = arith.index_cast %add3A_934 : i32 to index
        %get3A_936 = arith.constant 0 : index
        %get3A_937 = tpu.vector_load %arg11[%get3A_935, %get3A_936] {strides = array<i32>} : memref<640x64xf32, #tpu.memory_space<vmem>>, vector<16xf32>,
        %mul3A_938 = arith.mulf %get3A_937, %get3A_117 : vector<16xf32>
        %get3A_939 = arith.index_cast %add3A_934 : i32 to index
        %get3A_940 = arith.constant 16 : index
        %get3A_941 = tpu.vector_load %arg11[%get3A_939, %get3A_940] {strides = array<i32>} : memref<640x64xf32, #tpu.memory_space<vmem>>, vector<16xf32>,
        %mul3A_942 = arith.mulf %get3A_941, %get3A_120 : vector<16xf32>
        %add3A_943 = arith.addf %mul3A_938, %mul3A_942 : vector<16xf32>
        %get3A_944 = arith.index_cast %add3A_934 : i32 to index
        %get3A_945 = arith.constant 32 : index
        %get3A_946 = tpu.vector_load %arg11[%get3A_944, %get3A_945] {strides = array<i32>} : memref<640x64xf32, #tpu.memory_space<vmem>>, vector<16xf32>,
        %mul3A_947 = arith.mulf %get3A_946, %get3A_123 : vector<16xf32>
        %add3A_948 = arith.addf %add3A_943, %mul3A_947 : vector<16xf32>
        %get3A_949 = arith.index_cast %add3A_934 : i32 to index
        %get3A_950 = arith.constant 48 : index
        %get3A_951 = tpu.vector_load %arg11[%get3A_949, %get3A_950] {strides = array<i32>} : memref<640x64xf32, #tpu.memory_space<vmem>>, vector<16xf32>,
        %mul3A_952 = arith.mulf %get3A_951, %get3A_126 : vector<16xf32>
        %add3A_953 = arith.addf %add3A_948, %mul3A_952 : vector<16xf32>
        %broadcast_in_dim3A_954 = arith.constant true
        %broadcast_in_dim3A_955 = vector.broadcast %broadcast_in_dim3A_954 : i1 to vector<16xi1>
        %masked_cumsum3A_956 = tpu.scan <sum>, %add3A_953 masked %broadcast_in_dim3A_955 : vector<16xf32>, vector<16xi1> -> vector<16xf32>
        %mul3A_957 = arith.constant 20 : i32
        %mul3A_958 = arith.muli %scan3A_114, %mul3A_957 : i32
        %add3A_959 = arith.constant 6 : i32
        %add3A_960 = arith.addi %mul3A_958, %add3A_959 : i32
        %broadcast_in_dim3A_961 = vector.broadcast %add3A_960 : i32 to vector<16xi32>
        tpu.vector_store_idx %arg13[%broadcast_in_dim3A_961], %masked_cumsum3A_956 masked %eq3A_101 : memref<320xf32, #tpu.memory_space<vmem>>[vector<16xi32>], vector<16xf32>, vector<16xi1>
        %mul3A_962 = arith.constant 40 : i32
        %mul3A_963 = arith.muli %scan3A_114, %mul3A_962 : i32
        %add3A_964 = arith.constant 27 : i32
        %add3A_965 = arith.addi %mul3A_963, %add3A_964 : i32
        %get3A_966 = arith.index_cast %add3A_965 : i32 to index
        %get3A_967 = arith.constant 0 : index
        %get3A_968 = tpu.vector_load %arg11[%get3A_966, %get3A_967] {strides = array<i32>} : memref<640x64xf32, #tpu.memory_space<vmem>>, vector<16xf32>,
        %mul3A_969 = arith.mulf %get3A_968, %get3A_117 : vector<16xf32>
        %get3A_970 = arith.index_cast %add3A_965 : i32 to index
        %get3A_971 = arith.constant 16 : index
        %get3A_972 = tpu.vector_load %arg11[%get3A_970, %get3A_971] {strides = array<i32>} : memref<640x64xf32, #tpu.memory_space<vmem>>, vector<16xf32>,
        %mul3A_973 = arith.mulf %get3A_972, %get3A_120 : vector<16xf32>
        %add3A_974 = arith.addf %mul3A_969, %mul3A_973 : vector<16xf32>
        %get3A_975 = arith.index_cast %add3A_965 : i32 to index
        %get3A_976 = arith.constant 32 : index
        %get3A_977 = tpu.vector_load %arg11[%get3A_975, %get3A_976] {strides = array<i32>} : memref<640x64xf32, #tpu.memory_space<vmem>>, vector<16xf32>,
        %mul3A_978 = arith.mulf %get3A_977, %get3A_123 : vector<16xf32>
        %add3A_979 = arith.addf %add3A_974, %mul3A_978 : vector<16xf32>
        %get3A_980 = arith.index_cast %add3A_965 : i32 to index
        %get3A_981 = arith.constant 48 : index
        %get3A_982 = tpu.vector_load %arg11[%get3A_980, %get3A_981] {strides = array<i32>} : memref<640x64xf32, #tpu.memory_space<vmem>>, vector<16xf32>,
        %mul3A_983 = arith.mulf %get3A_982, %get3A_126 : vector<16xf32>
        %add3A_984 = arith.addf %add3A_979, %mul3A_983 : vector<16xf32>
        %broadcast_in_dim3A_985 = arith.constant true
        %broadcast_in_dim3A_986 = vector.broadcast %broadcast_in_dim3A_985 : i1 to vector<16xi1>
        %masked_cumsum3A_987 = tpu.scan <sum>, %add3A_984 masked %broadcast_in_dim3A_986 : vector<16xf32>, vector<16xi1> -> vector<16xf32>
        %mul3A_988 = arith.constant 20 : i32
        %mul3A_989 = arith.muli %scan3A_114, %mul3A_988 : i32
        %add3A_990 = arith.constant 7 : i32
        %add3A_991 = arith.addi %mul3A_989, %add3A_990 : i32
        %broadcast_in_dim3A_992 = vector.broadcast %add3A_991 : i32 to vector<16xi32>
        tpu.vector_store_idx %arg13[%broadcast_in_dim3A_992], %masked_cumsum3A_987 masked %eq3A_101 : memref<320xf32, #tpu.memory_space<vmem>>[vector<16xi32>], vector<16xf32>, vector<16xi1>
        %mul3A_993 = arith.constant 40 : i32
        %mul3A_994 = arith.muli %scan3A_114, %mul3A_993 : i32
        %add3A_995 = arith.constant 28 : i32
        %add3A_996 = arith.addi %mul3A_994, %add3A_995 : i32
        %get3A_997 = arith.index_cast %add3A_996 : i32 to index
        %get3A_998 = arith.constant 0 : index
        %get3A_999 = tpu.vector_load %arg11[%get3A_997, %get3A_998] {strides = array<i32>} : memref<640x64xf32, #tpu.memory_space<vmem>>, vector<16xf32>,
        %mul3A_1000 = arith.mulf %get3A_999, %get3A_117 : vector<16xf32>
        %get3A_1001 = arith.index_cast %add3A_996 : i32 to index
        %get3A_1002 = arith.constant 16 : index
        %get3A_1003 = tpu.vector_load %arg11[%get3A_1001, %get3A_1002] {strides = array<i32>} : memref<640x64xf32, #tpu.memory_space<vmem>>, vector<16xf32>,
        %mul3A_1004 = arith.mulf %get3A_1003, %get3A_120 : vector<16xf32>
        %add3A_1005 = arith.addf %mul3A_1000, %mul3A_1004 : vector<16xf32>
        %get3A_1006 = arith.index_cast %add3A_996 : i32 to index
        %get3A_1007 = arith.constant 32 : index
        %get3A_1008 = tpu.vector_load %arg11[%get3A_1006, %get3A_1007] {strides = array<i32>} : memref<640x64xf32, #tpu.memory_space<vmem>>, vector<16xf32>,
        %mul3A_1009 = arith.mulf %get3A_1008, %get3A_123 : vector<16xf32>
        %add3A_1010 = arith.addf %add3A_1005, %mul3A_1009 : vector<16xf32>
        %get3A_1011 = arith.index_cast %add3A_996 : i32 to index
        %get3A_1012 = arith.constant 48 : index
        %get3A_1013 = tpu.vector_load %arg11[%get3A_1011, %get3A_1012] {strides = array<i32>} : memref<640x64xf32, #tpu.memory_space<vmem>>, vector<16xf32>,
        %mul3A_1014 = arith.mulf %get3A_1013, %get3A_126 : vector<16xf32>
        %add3A_1015 = arith.addf %add3A_1010, %mul3A_1014 : vector<16xf32>
        %broadcast_in_dim3A_1016 = arith.constant true
        %broadcast_in_dim3A_1017 = vector.broadcast %broadcast_in_dim3A_1016 : i1 to vector<16xi1>
        %masked_cumsum3A_1018 = tpu.scan <sum>, %add3A_1015 masked %broadcast_in_dim3A_1017 : vector<16xf32>, vector<16xi1> -> vector<16xf32>
        %mul3A_1019 = arith.constant 20 : i32
        %mul3A_1020 = arith.muli %scan3A_114, %mul3A_1019 : i32
        %add3A_1021 = arith.constant 8 : i32
        %add3A_1022 = arith.addi %mul3A_1020, %add3A_1021 : i32
        %broadcast_in_dim3A_1023 = vector.broadcast %add3A_1022 : i32 to vector<16xi32>
        tpu.vector_store_idx %arg13[%broadcast_in_dim3A_1023], %masked_cumsum3A_1018 masked %eq3A_101 : memref<320xf32, #tpu.memory_space<vmem>>[vector<16xi32>], vector<16xf32>, vector<16xi1>
        %mul3A_1024 = arith.constant 40 : i32
        %mul3A_1025 = arith.muli %scan3A_114, %mul3A_1024 : i32
        %add3A_1026 = arith.constant 29 : i32
        %add3A_1027 = arith.addi %mul3A_1025, %add3A_1026 : i32
        %get3A_1028 = arith.index_cast %add3A_1027 : i32 to index
        %get3A_1029 = arith.constant 0 : index
        %get3A_1030 = tpu.vector_load %arg11[%get3A_1028, %get3A_1029] {strides = array<i32>} : memref<640x64xf32, #tpu.memory_space<vmem>>, vector<16xf32>,
        %mul3A_1031 = arith.mulf %get3A_1030, %get3A_117 : vector<16xf32>
        %get3A_1032 = arith.index_cast %add3A_1027 : i32 to index
        %get3A_1033 = arith.constant 16 : index
        %get3A_1034 = tpu.vector_load %arg11[%get3A_1032, %get3A_1033] {strides = array<i32>} : memref<640x64xf32, #tpu.memory_space<vmem>>, vector<16xf32>,
        %mul3A_1035 = arith.mulf %get3A_1034, %get3A_120 : vector<16xf32>
        %add3A_1036 = arith.addf %mul3A_1031, %mul3A_1035 : vector<16xf32>
        %get3A_1037 = arith.index_cast %add3A_1027 : i32 to index
        %get3A_1038 = arith.constant 32 : index
        %get3A_1039 = tpu.vector_load %arg11[%get3A_1037, %get3A_1038] {strides = array<i32>} : memref<640x64xf32, #tpu.memory_space<vmem>>, vector<16xf32>,
        %mul3A_1040 = arith.mulf %get3A_1039, %get3A_123 : vector<16xf32>
        %add3A_1041 = arith.addf %add3A_1036, %mul3A_1040 : vector<16xf32>
        %get3A_1042 = arith.index_cast %add3A_1027 : i32 to index
        %get3A_1043 = arith.constant 48 : index
        %get3A_1044 = tpu.vector_load %arg11[%get3A_1042, %get3A_1043] {strides = array<i32>} : memref<640x64xf32, #tpu.memory_space<vmem>>, vector<16xf32>,
        %mul3A_1045 = arith.mulf %get3A_1044, %get3A_126 : vector<16xf32>
        %add3A_1046 = arith.addf %add3A_1041, %mul3A_1045 : vector<16xf32>
        %broadcast_in_dim3A_1047 = arith.constant true
        %broadcast_in_dim3A_1048 = vector.broadcast %broadcast_in_dim3A_1047 : i1 to vector<16xi1>
        %masked_cumsum3A_1049 = tpu.scan <sum>, %add3A_1046 masked %broadcast_in_dim3A_1048 : vector<16xf32>, vector<16xi1> -> vector<16xf32>
        %mul3A_1050 = arith.constant 20 : i32
        %mul3A_1051 = arith.muli %scan3A_114, %mul3A_1050 : i32
        %add3A_1052 = arith.constant 9 : i32
        %add3A_1053 = arith.addi %mul3A_1051, %add3A_1052 : i32
        %broadcast_in_dim3A_1054 = vector.broadcast %add3A_1053 : i32 to vector<16xi32>
        tpu.vector_store_idx %arg13[%broadcast_in_dim3A_1054], %masked_cumsum3A_1049 masked %eq3A_101 : memref<320xf32, #tpu.memory_space<vmem>>[vector<16xi32>], vector<16xf32>, vector<16xi1>
        %mul3A_1055 = arith.constant 40 : i32
        %mul3A_1056 = arith.muli %scan3A_114, %mul3A_1055 : i32
        %add3A_1057 = arith.constant 30 : i32
        %add3A_1058 = arith.addi %mul3A_1056, %add3A_1057 : i32
        %get3A_1059 = arith.index_cast %add3A_1058 : i32 to index
        %get3A_1060 = arith.constant 0 : index
        %get3A_1061 = tpu.vector_load %arg11[%get3A_1059, %get3A_1060] {strides = array<i32>} : memref<640x64xf32, #tpu.memory_space<vmem>>, vector<16xf32>,
        %mul3A_1062 = arith.mulf %get3A_1061, %get3A_117 : vector<16xf32>
        %get3A_1063 = arith.index_cast %add3A_1058 : i32 to index
        %get3A_1064 = arith.constant 16 : index
        %get3A_1065 = tpu.vector_load %arg11[%get3A_1063, %get3A_1064] {strides = array<i32>} : memref<640x64xf32, #tpu.memory_space<vmem>>, vector<16xf32>,
        %mul3A_1066 = arith.mulf %get3A_1065, %get3A_120 : vector<16xf32>
        %add3A_1067 = arith.addf %mul3A_1062, %mul3A_1066 : vector<16xf32>
        %get3A_1068 = arith.index_cast %add3A_1058 : i32 to index
        %get3A_1069 = arith.constant 32 : index
        %get3A_1070 = tpu.vector_load %arg11[%get3A_1068, %get3A_1069] {strides = array<i32>} : memref<640x64xf32, #tpu.memory_space<vmem>>, vector<16xf32>,
        %mul3A_1071 = arith.mulf %get3A_1070, %get3A_123 : vector<16xf32>
        %add3A_1072 = arith.addf %add3A_1067, %mul3A_1071 : vector<16xf32>
        %get3A_1073 = arith.index_cast %add3A_1058 : i32 to index
        %get3A_1074 = arith.constant 48 : index
        %get3A_1075 = tpu.vector_load %arg11[%get3A_1073, %get3A_1074] {strides = array<i32>} : memref<640x64xf32, #tpu.memory_space<vmem>>, vector<16xf32>,
        %mul3A_1076 = arith.mulf %get3A_1075, %get3A_126 : vector<16xf32>
        %add3A_1077 = arith.addf %add3A_1072, %mul3A_1076 : vector<16xf32>
        %broadcast_in_dim3A_1078 = arith.constant true
        %broadcast_in_dim3A_1079 = vector.broadcast %broadcast_in_dim3A_1078 : i1 to vector<16xi1>
        %masked_cumsum3A_1080 = tpu.scan <sum>, %add3A_1077 masked %broadcast_in_dim3A_1079 : vector<16xf32>, vector<16xi1> -> vector<16xf32>
        %mul3A_1081 = arith.constant 20 : i32
        %mul3A_1082 = arith.muli %scan3A_114, %mul3A_1081 : i32
        %add3A_1083 = arith.constant 10 : i32
        %add3A_1084 = arith.addi %mul3A_1082, %add3A_1083 : i32
        %broadcast_in_dim3A_1085 = vector.broadcast %add3A_1084 : i32 to vector<16xi32>
        tpu.vector_store_idx %arg13[%broadcast_in_dim3A_1085], %masked_cumsum3A_1080 masked %eq3A_101 : memref<320xf32, #tpu.memory_space<vmem>>[vector<16xi32>], vector<16xf32>, vector<16xi1>
        %mul3A_1086 = arith.constant 40 : i32
        %mul3A_1087 = arith.muli %scan3A_114, %mul3A_1086 : i32
        %add3A_1088 = arith.constant 31 : i32
        %add3A_1089 = arith.addi %mul3A_1087, %add3A_1088 : i32
        %get3A_1090 = arith.index_cast %add3A_1089 : i32 to index
        %get3A_1091 = arith.constant 0 : index
        %get3A_1092 = tpu.vector_load %arg11[%get3A_1090, %get3A_1091] {strides = array<i32>} : memref<640x64xf32, #tpu.memory_space<vmem>>, vector<16xf32>,
        %mul3A_1093 = arith.mulf %get3A_1092, %get3A_117 : vector<16xf32>
        %get3A_1094 = arith.index_cast %add3A_1089 : i32 to index
        %get3A_1095 = arith.constant 16 : index
        %get3A_1096 = tpu.vector_load %arg11[%get3A_1094, %get3A_1095] {strides = array<i32>} : memref<640x64xf32, #tpu.memory_space<vmem>>, vector<16xf32>,
        %mul3A_1097 = arith.mulf %get3A_1096, %get3A_120 : vector<16xf32>
        %add3A_1098 = arith.addf %mul3A_1093, %mul3A_1097 : vector<16xf32>
        %get3A_1099 = arith.index_cast %add3A_1089 : i32 to index
        %get3A_1100 = arith.constant 32 : index
        %get3A_1101 = tpu.vector_load %arg11[%get3A_1099, %get3A_1100] {strides = array<i32>} : memref<640x64xf32, #tpu.memory_space<vmem>>, vector<16xf32>,
        %mul3A_1102 = arith.mulf %get3A_1101, %get3A_123 : vector<16xf32>
        %add3A_1103 = arith.addf %add3A_1098, %mul3A_1102 : vector<16xf32>
        %get3A_1104 = arith.index_cast %add3A_1089 : i32 to index
        %get3A_1105 = arith.constant 48 : index
        %get3A_1106 = tpu.vector_load %arg11[%get3A_1104, %get3A_1105] {strides = array<i32>} : memref<640x64xf32, #tpu.memory_space<vmem>>, vector<16xf32>,
        %mul3A_1107 = arith.mulf %get3A_1106, %get3A_126 : vector<16xf32>
        %add3A_1108 = arith.addf %add3A_1103, %mul3A_1107 : vector<16xf32>
        %broadcast_in_dim3A_1109 = arith.constant true
        %broadcast_in_dim3A_1110 = vector.broadcast %broadcast_in_dim3A_1109 : i1 to vector<16xi1>
        %masked_cumsum3A_1111 = tpu.scan <sum>, %add3A_1108 masked %broadcast_in_dim3A_1110 : vector<16xf32>, vector<16xi1> -> vector<16xf32>
        %mul3A_1112 = arith.constant 20 : i32
        %mul3A_1113 = arith.muli %scan3A_114, %mul3A_1112 : i32
        %add3A_1114 = arith.constant 11 : i32
        %add3A_1115 = arith.addi %mul3A_1113, %add3A_1114 : i32
        %broadcast_in_dim3A_1116 = vector.broadcast %add3A_1115 : i32 to vector<16xi32>
        tpu.vector_store_idx %arg13[%broadcast_in_dim3A_1116], %masked_cumsum3A_1111 masked %eq3A_101 : memref<320xf32, #tpu.memory_space<vmem>>[vector<16xi32>], vector<16xf32>, vector<16xi1>
        %mul3A_1117 = arith.constant 40 : i32
        %mul3A_1118 = arith.muli %scan3A_114, %mul3A_1117 : i32
        %add3A_1119 = arith.constant 32 : i32
        %add3A_1120 = arith.addi %mul3A_1118, %add3A_1119 : i32
        %get3A_1121 = arith.index_cast %add3A_1120 : i32 to index
        %get3A_1122 = arith.constant 0 : index
        %get3A_1123 = tpu.vector_load %arg11[%get3A_1121, %get3A_1122] {strides = array<i32>} : memref<640x64xf32, #tpu.memory_space<vmem>>, vector<16xf32>,
        %mul3A_1124 = arith.mulf %get3A_1123, %get3A_117 : vector<16xf32>
        %get3A_1125 = arith.index_cast %add3A_1120 : i32 to index
        %get3A_1126 = arith.constant 16 : index
        %get3A_1127 = tpu.vector_load %arg11[%get3A_1125, %get3A_1126] {strides = array<i32>} : memref<640x64xf32, #tpu.memory_space<vmem>>, vector<16xf32>,
        %mul3A_1128 = arith.mulf %get3A_1127, %get3A_120 : vector<16xf32>
        %add3A_1129 = arith.addf %mul3A_1124, %mul3A_1128 : vector<16xf32>
        %get3A_1130 = arith.index_cast %add3A_1120 : i32 to index
        %get3A_1131 = arith.constant 32 : index
        %get3A_1132 = tpu.vector_load %arg11[%get3A_1130, %get3A_1131] {strides = array<i32>} : memref<640x64xf32, #tpu.memory_space<vmem>>, vector<16xf32>,
        %mul3A_1133 = arith.mulf %get3A_1132, %get3A_123 : vector<16xf32>
        %add3A_1134 = arith.addf %add3A_1129, %mul3A_1133 : vector<16xf32>
        %get3A_1135 = arith.index_cast %add3A_1120 : i32 to index
        %get3A_1136 = arith.constant 48 : index
        %get3A_1137 = tpu.vector_load %arg11[%get3A_1135, %get3A_1136] {strides = array<i32>} : memref<640x64xf32, #tpu.memory_space<vmem>>, vector<16xf32>,
        %mul3A_1138 = arith.mulf %get3A_1137, %get3A_126 : vector<16xf32>
        %add3A_1139 = arith.addf %add3A_1134, %mul3A_1138 : vector<16xf32>
        %broadcast_in_dim3A_1140 = arith.constant true
        %broadcast_in_dim3A_1141 = vector.broadcast %broadcast_in_dim3A_1140 : i1 to vector<16xi1>
        %masked_cumsum3A_1142 = tpu.scan <sum>, %add3A_1139 masked %broadcast_in_dim3A_1141 : vector<16xf32>, vector<16xi1> -> vector<16xf32>
        %mul3A_1143 = arith.constant 20 : i32
        %mul3A_1144 = arith.muli %scan3A_114, %mul3A_1143 : i32
        %add3A_1145 = arith.constant 12 : i32
        %add3A_1146 = arith.addi %mul3A_1144, %add3A_1145 : i32
        %broadcast_in_dim3A_1147 = vector.broadcast %add3A_1146 : i32 to vector<16xi32>
        tpu.vector_store_idx %arg13[%broadcast_in_dim3A_1147], %masked_cumsum3A_1142 masked %eq3A_101 : memref<320xf32, #tpu.memory_space<vmem>>[vector<16xi32>], vector<16xf32>, vector<16xi1>
        %mul3A_1148 = arith.constant 40 : i32
        %mul3A_1149 = arith.muli %scan3A_114, %mul3A_1148 : i32
        %add3A_1150 = arith.constant 33 : i32
        %add3A_1151 = arith.addi %mul3A_1149, %add3A_1150 : i32
        %get3A_1152 = arith.index_cast %add3A_1151 : i32 to index
        %get3A_1153 = arith.constant 0 : index
        %get3A_1154 = tpu.vector_load %arg11[%get3A_1152, %get3A_1153] {strides = array<i32>} : memref<640x64xf32, #tpu.memory_space<vmem>>, vector<16xf32>,
        %mul3A_1155 = arith.mulf %get3A_1154, %get3A_117 : vector<16xf32>
        %get3A_1156 = arith.index_cast %add3A_1151 : i32 to index
        %get3A_1157 = arith.constant 16 : index
        %get3A_1158 = tpu.vector_load %arg11[%get3A_1156, %get3A_1157] {strides = array<i32>} : memref<640x64xf32, #tpu.memory_space<vmem>>, vector<16xf32>,
        %mul3A_1159 = arith.mulf %get3A_1158, %get3A_120 : vector<16xf32>
        %add3A_1160 = arith.addf %mul3A_1155, %mul3A_1159 : vector<16xf32>
        %get3A_1161 = arith.index_cast %add3A_1151 : i32 to index
        %get3A_1162 = arith.constant 32 : index
        %get3A_1163 = tpu.vector_load %arg11[%get3A_1161, %get3A_1162] {strides = array<i32>} : memref<640x64xf32, #tpu.memory_space<vmem>>, vector<16xf32>,
        %mul3A_1164 = arith.mulf %get3A_1163, %get3A_123 : vector<16xf32>
        %add3A_1165 = arith.addf %add3A_1160, %mul3A_1164 : vector<16xf32>
        %get3A_1166 = arith.index_cast %add3A_1151 : i32 to index
        %get3A_1167 = arith.constant 48 : index
        %get3A_1168 = tpu.vector_load %arg11[%get3A_1166, %get3A_1167] {strides = array<i32>} : memref<640x64xf32, #tpu.memory_space<vmem>>, vector<16xf32>,
        %mul3A_1169 = arith.mulf %get3A_1168, %get3A_126 : vector<16xf32>
        %add3A_1170 = arith.addf %add3A_1165, %mul3A_1169 : vector<16xf32>
        %broadcast_in_dim3A_1171 = arith.constant true
        %broadcast_in_dim3A_1172 = vector.broadcast %broadcast_in_dim3A_1171 : i1 to vector<16xi1>
        %masked_cumsum3A_1173 = tpu.scan <sum>, %add3A_1170 masked %broadcast_in_dim3A_1172 : vector<16xf32>, vector<16xi1> -> vector<16xf32>
        %mul3A_1174 = arith.constant 20 : i32
        %mul3A_1175 = arith.muli %scan3A_114, %mul3A_1174 : i32
        %add3A_1176 = arith.constant 13 : i32
        %add3A_1177 = arith.addi %mul3A_1175, %add3A_1176 : i32
        %broadcast_in_dim3A_1178 = vector.broadcast %add3A_1177 : i32 to vector<16xi32>
        tpu.vector_store_idx %arg13[%broadcast_in_dim3A_1178], %masked_cumsum3A_1173 masked %eq3A_101 : memref<320xf32, #tpu.memory_space<vmem>>[vector<16xi32>], vector<16xf32>, vector<16xi1>
        %mul3A_1179 = arith.constant 40 : i32
        %mul3A_1180 = arith.muli %scan3A_114, %mul3A_1179 : i32
        %add3A_1181 = arith.constant 34 : i32
        %add3A_1182 = arith.addi %mul3A_1180, %add3A_1181 : i32
        %get3A_1183 = arith.index_cast %add3A_1182 : i32 to index
        %get3A_1184 = arith.constant 0 : index
        %get3A_1185 = tpu.vector_load %arg11[%get3A_1183, %get3A_1184] {strides = array<i32>} : memref<640x64xf32, #tpu.memory_space<vmem>>, vector<16xf32>,
        %mul3A_1186 = arith.mulf %get3A_1185, %get3A_117 : vector<16xf32>
        %get3A_1187 = arith.index_cast %add3A_1182 : i32 to index
        %get3A_1188 = arith.constant 16 : index
        %get3A_1189 = tpu.vector_load %arg11[%get3A_1187, %get3A_1188] {strides = array<i32>} : memref<640x64xf32, #tpu.memory_space<vmem>>, vector<16xf32>,
        %mul3A_1190 = arith.mulf %get3A_1189, %get3A_120 : vector<16xf32>
        %add3A_1191 = arith.addf %mul3A_1186, %mul3A_1190 : vector<16xf32>
        %get3A_1192 = arith.index_cast %add3A_1182 : i32 to index
        %get3A_1193 = arith.constant 32 : index
        %get3A_1194 = tpu.vector_load %arg11[%get3A_1192, %get3A_1193] {strides = array<i32>} : memref<640x64xf32, #tpu.memory_space<vmem>>, vector<16xf32>,
        %mul3A_1195 = arith.mulf %get3A_1194, %get3A_123 : vector<16xf32>
        %add3A_1196 = arith.addf %add3A_1191, %mul3A_1195 : vector<16xf32>
        %get3A_1197 = arith.index_cast %add3A_1182 : i32 to index
        %get3A_1198 = arith.constant 48 : index
        %get3A_1199 = tpu.vector_load %arg11[%get3A_1197, %get3A_1198] {strides = array<i32>} : memref<640x64xf32, #tpu.memory_space<vmem>>, vector<16xf32>,
        %mul3A_1200 = arith.mulf %get3A_1199, %get3A_126 : vector<16xf32>
        %add3A_1201 = arith.addf %add3A_1196, %mul3A_1200 : vector<16xf32>
        %broadcast_in_dim3A_1202 = arith.constant true
        %broadcast_in_dim3A_1203 = vector.broadcast %broadcast_in_dim3A_1202 : i1 to vector<16xi1>
        %masked_cumsum3A_1204 = tpu.scan <sum>, %add3A_1201 masked %broadcast_in_dim3A_1203 : vector<16xf32>, vector<16xi1> -> vector<16xf32>
        %mul3A_1205 = arith.constant 20 : i32
        %mul3A_1206 = arith.muli %scan3A_114, %mul3A_1205 : i32
        %add3A_1207 = arith.constant 14 : i32
        %add3A_1208 = arith.addi %mul3A_1206, %add3A_1207 : i32
        %broadcast_in_dim3A_1209 = vector.broadcast %add3A_1208 : i32 to vector<16xi32>
        tpu.vector_store_idx %arg13[%broadcast_in_dim3A_1209], %masked_cumsum3A_1204 masked %eq3A_101 : memref<320xf32, #tpu.memory_space<vmem>>[vector<16xi32>], vector<16xf32>, vector<16xi1>
        %mul3A_1210 = arith.constant 40 : i32
        %mul3A_1211 = arith.muli %scan3A_114, %mul3A_1210 : i32
        %add3A_1212 = arith.constant 35 : i32
        %add3A_1213 = arith.addi %mul3A_1211, %add3A_1212 : i32
        %get3A_1214 = arith.index_cast %add3A_1213 : i32 to index
        %get3A_1215 = arith.constant 0 : index
        %get3A_1216 = tpu.vector_load %arg11[%get3A_1214, %get3A_1215] {strides = array<i32>} : memref<640x64xf32, #tpu.memory_space<vmem>>, vector<16xf32>,
        %mul3A_1217 = arith.mulf %get3A_1216, %get3A_117 : vector<16xf32>
        %get3A_1218 = arith.index_cast %add3A_1213 : i32 to index
        %get3A_1219 = arith.constant 16 : index
        %get3A_1220 = tpu.vector_load %arg11[%get3A_1218, %get3A_1219] {strides = array<i32>} : memref<640x64xf32, #tpu.memory_space<vmem>>, vector<16xf32>,
        %mul3A_1221 = arith.mulf %get3A_1220, %get3A_120 : vector<16xf32>
        %add3A_1222 = arith.addf %mul3A_1217, %mul3A_1221 : vector<16xf32>
        %get3A_1223 = arith.index_cast %add3A_1213 : i32 to index
        %get3A_1224 = arith.constant 32 : index
        %get3A_1225 = tpu.vector_load %arg11[%get3A_1223, %get3A_1224] {strides = array<i32>} : memref<640x64xf32, #tpu.memory_space<vmem>>, vector<16xf32>,
        %mul3A_1226 = arith.mulf %get3A_1225, %get3A_123 : vector<16xf32>
        %add3A_1227 = arith.addf %add3A_1222, %mul3A_1226 : vector<16xf32>
        %get3A_1228 = arith.index_cast %add3A_1213 : i32 to index
        %get3A_1229 = arith.constant 48 : index
        %get3A_1230 = tpu.vector_load %arg11[%get3A_1228, %get3A_1229] {strides = array<i32>} : memref<640x64xf32, #tpu.memory_space<vmem>>, vector<16xf32>,
        %mul3A_1231 = arith.mulf %get3A_1230, %get3A_126 : vector<16xf32>
        %add3A_1232 = arith.addf %add3A_1227, %mul3A_1231 : vector<16xf32>
        %broadcast_in_dim3A_1233 = arith.constant true
        %broadcast_in_dim3A_1234 = vector.broadcast %broadcast_in_dim3A_1233 : i1 to vector<16xi1>
        %masked_cumsum3A_1235 = tpu.scan <sum>, %add3A_1232 masked %broadcast_in_dim3A_1234 : vector<16xf32>, vector<16xi1> -> vector<16xf32>
        %mul3A_1236 = arith.constant 20 : i32
        %mul3A_1237 = arith.muli %scan3A_114, %mul3A_1236 : i32
        %add3A_1238 = arith.constant 15 : i32
        %add3A_1239 = arith.addi %mul3A_1237, %add3A_1238 : i32
        %broadcast_in_dim3A_1240 = vector.broadcast %add3A_1239 : i32 to vector<16xi32>
        tpu.vector_store_idx %arg13[%broadcast_in_dim3A_1240], %masked_cumsum3A_1235 masked %eq3A_101 : memref<320xf32, #tpu.memory_space<vmem>>[vector<16xi32>], vector<16xf32>, vector<16xi1>
        %mul3A_1241 = arith.constant 40 : i32
        %mul3A_1242 = arith.muli %scan3A_114, %mul3A_1241 : i32
        %add3A_1243 = arith.constant 36 : i32
        %add3A_1244 = arith.addi %mul3A_1242, %add3A_1243 : i32
        %get3A_1245 = arith.index_cast %add3A_1244 : i32 to index
        %get3A_1246 = arith.constant 0 : index
        %get3A_1247 = tpu.vector_load %arg11[%get3A_1245, %get3A_1246] {strides = array<i32>} : memref<640x64xf32, #tpu.memory_space<vmem>>, vector<16xf32>,
        %mul3A_1248 = arith.mulf %get3A_1247, %get3A_117 : vector<16xf32>
        %get3A_1249 = arith.index_cast %add3A_1244 : i32 to index
        %get3A_1250 = arith.constant 16 : index
        %get3A_1251 = tpu.vector_load %arg11[%get3A_1249, %get3A_1250] {strides = array<i32>} : memref<640x64xf32, #tpu.memory_space<vmem>>, vector<16xf32>,
        %mul3A_1252 = arith.mulf %get3A_1251, %get3A_120 : vector<16xf32>
        %add3A_1253 = arith.addf %mul3A_1248, %mul3A_1252 : vector<16xf32>
        %get3A_1254 = arith.index_cast %add3A_1244 : i32 to index
        %get3A_1255 = arith.constant 32 : index
        %get3A_1256 = tpu.vector_load %arg11[%get3A_1254, %get3A_1255] {strides = array<i32>} : memref<640x64xf32, #tpu.memory_space<vmem>>, vector<16xf32>,
        %mul3A_1257 = arith.mulf %get3A_1256, %get3A_123 : vector<16xf32>
        %add3A_1258 = arith.addf %add3A_1253, %mul3A_1257 : vector<16xf32>
        %get3A_1259 = arith.index_cast %add3A_1244 : i32 to index
        %get3A_1260 = arith.constant 48 : index
        %get3A_1261 = tpu.vector_load %arg11[%get3A_1259, %get3A_1260] {strides = array<i32>} : memref<640x64xf32, #tpu.memory_space<vmem>>, vector<16xf32>,
        %mul3A_1262 = arith.mulf %get3A_1261, %get3A_126 : vector<16xf32>
        %add3A_1263 = arith.addf %add3A_1258, %mul3A_1262 : vector<16xf32>
        %broadcast_in_dim3A_1264 = arith.constant true
        %broadcast_in_dim3A_1265 = vector.broadcast %broadcast_in_dim3A_1264 : i1 to vector<16xi1>
        %masked_cumsum3A_1266 = tpu.scan <sum>, %add3A_1263 masked %broadcast_in_dim3A_1265 : vector<16xf32>, vector<16xi1> -> vector<16xf32>
        %mul3A_1267 = arith.constant 20 : i32
        %mul3A_1268 = arith.muli %scan3A_114, %mul3A_1267 : i32
        %add3A_1269 = arith.constant 16 : i32
        %add3A_1270 = arith.addi %mul3A_1268, %add3A_1269 : i32
        %broadcast_in_dim3A_1271 = vector.broadcast %add3A_1270 : i32 to vector<16xi32>
        tpu.vector_store_idx %arg13[%broadcast_in_dim3A_1271], %masked_cumsum3A_1266 masked %eq3A_101 : memref<320xf32, #tpu.memory_space<vmem>>[vector<16xi32>], vector<16xf32>, vector<16xi1>
        %mul3A_1272 = arith.constant 40 : i32
        %mul3A_1273 = arith.muli %scan3A_114, %mul3A_1272 : i32
        %add3A_1274 = arith.constant 37 : i32
        %add3A_1275 = arith.addi %mul3A_1273, %add3A_1274 : i32
        %get3A_1276 = arith.index_cast %add3A_1275 : i32 to index
        %get3A_1277 = arith.constant 0 : index
        %get3A_1278 = tpu.vector_load %arg11[%get3A_1276, %get3A_1277] {strides = array<i32>} : memref<640x64xf32, #tpu.memory_space<vmem>>, vector<16xf32>,
        %mul3A_1279 = arith.mulf %get3A_1278, %get3A_117 : vector<16xf32>
        %get3A_1280 = arith.index_cast %add3A_1275 : i32 to index
        %get3A_1281 = arith.constant 16 : index
        %get3A_1282 = tpu.vector_load %arg11[%get3A_1280, %get3A_1281] {strides = array<i32>} : memref<640x64xf32, #tpu.memory_space<vmem>>, vector<16xf32>,
        %mul3A_1283 = arith.mulf %get3A_1282, %get3A_120 : vector<16xf32>
        %add3A_1284 = arith.addf %mul3A_1279, %mul3A_1283 : vector<16xf32>
        %get3A_1285 = arith.index_cast %add3A_1275 : i32 to index
        %get3A_1286 = arith.constant 32 : index
        %get3A_1287 = tpu.vector_load %arg11[%get3A_1285, %get3A_1286] {strides = array<i32>} : memref<640x64xf32, #tpu.memory_space<vmem>>, vector<16xf32>,
        %mul3A_1288 = arith.mulf %get3A_1287, %get3A_123 : vector<16xf32>
        %add3A_1289 = arith.addf %add3A_1284, %mul3A_1288 : vector<16xf32>
        %get3A_1290 = arith.index_cast %add3A_1275 : i32 to index
        %get3A_1291 = arith.constant 48 : index
        %get3A_1292 = tpu.vector_load %arg11[%get3A_1290, %get3A_1291] {strides = array<i32>} : memref<640x64xf32, #tpu.memory_space<vmem>>, vector<16xf32>,
        %mul3A_1293 = arith.mulf %get3A_1292, %get3A_126 : vector<16xf32>
        %add3A_1294 = arith.addf %add3A_1289, %mul3A_1293 : vector<16xf32>
        %broadcast_in_dim3A_1295 = arith.constant true
        %broadcast_in_dim3A_1296 = vector.broadcast %broadcast_in_dim3A_1295 : i1 to vector<16xi1>
        %masked_cumsum3A_1297 = tpu.scan <sum>, %add3A_1294 masked %broadcast_in_dim3A_1296 : vector<16xf32>, vector<16xi1> -> vector<16xf32>
        %mul3A_1298 = arith.constant 20 : i32
        %mul3A_1299 = arith.muli %scan3A_114, %mul3A_1298 : i32
        %add3A_1300 = arith.constant 17 : i32
        %add3A_1301 = arith.addi %mul3A_1299, %add3A_1300 : i32
        %broadcast_in_dim3A_1302 = vector.broadcast %add3A_1301 : i32 to vector<16xi32>
        tpu.vector_store_idx %arg13[%broadcast_in_dim3A_1302], %masked_cumsum3A_1297 masked %eq3A_101 : memref<320xf32, #tpu.memory_space<vmem>>[vector<16xi32>], vector<16xf32>, vector<16xi1>
        %mul3A_1303 = arith.constant 40 : i32
        %mul3A_1304 = arith.muli %scan3A_114, %mul3A_1303 : i32
        %add3A_1305 = arith.constant 38 : i32
        %add3A_1306 = arith.addi %mul3A_1304, %add3A_1305 : i32
        %get3A_1307 = arith.index_cast %add3A_1306 : i32 to index
        %get3A_1308 = arith.constant 0 : index
        %get3A_1309 = tpu.vector_load %arg11[%get3A_1307, %get3A_1308] {strides = array<i32>} : memref<640x64xf32, #tpu.memory_space<vmem>>, vector<16xf32>,
        %mul3A_1310 = arith.mulf %get3A_1309, %get3A_117 : vector<16xf32>
        %get3A_1311 = arith.index_cast %add3A_1306 : i32 to index
        %get3A_1312 = arith.constant 16 : index
        %get3A_1313 = tpu.vector_load %arg11[%get3A_1311, %get3A_1312] {strides = array<i32>} : memref<640x64xf32, #tpu.memory_space<vmem>>, vector<16xf32>,
        %mul3A_1314 = arith.mulf %get3A_1313, %get3A_120 : vector<16xf32>
        %add3A_1315 = arith.addf %mul3A_1310, %mul3A_1314 : vector<16xf32>
        %get3A_1316 = arith.index_cast %add3A_1306 : i32 to index
        %get3A_1317 = arith.constant 32 : index
        %get3A_1318 = tpu.vector_load %arg11[%get3A_1316, %get3A_1317] {strides = array<i32>} : memref<640x64xf32, #tpu.memory_space<vmem>>, vector<16xf32>,
        %mul3A_1319 = arith.mulf %get3A_1318, %get3A_123 : vector<16xf32>
        %add3A_1320 = arith.addf %add3A_1315, %mul3A_1319 : vector<16xf32>
        %get3A_1321 = arith.index_cast %add3A_1306 : i32 to index
        %get3A_1322 = arith.constant 48 : index
        %get3A_1323 = tpu.vector_load %arg11[%get3A_1321, %get3A_1322] {strides = array<i32>} : memref<640x64xf32, #tpu.memory_space<vmem>>, vector<16xf32>,
        %mul3A_1324 = arith.mulf %get3A_1323, %get3A_126 : vector<16xf32>
        %add3A_1325 = arith.addf %add3A_1320, %mul3A_1324 : vector<16xf32>
        %broadcast_in_dim3A_1326 = arith.constant true
        %broadcast_in_dim3A_1327 = vector.broadcast %broadcast_in_dim3A_1326 : i1 to vector<16xi1>
        %masked_cumsum3A_1328 = tpu.scan <sum>, %add3A_1325 masked %broadcast_in_dim3A_1327 : vector<16xf32>, vector<16xi1> -> vector<16xf32>
        %mul3A_1329 = arith.constant 20 : i32
        %mul3A_1330 = arith.muli %scan3A_114, %mul3A_1329 : i32
        %add3A_1331 = arith.constant 18 : i32
        %add3A_1332 = arith.addi %mul3A_1330, %add3A_1331 : i32
        %broadcast_in_dim3A_1333 = vector.broadcast %add3A_1332 : i32 to vector<16xi32>
        tpu.vector_store_idx %arg13[%broadcast_in_dim3A_1333], %masked_cumsum3A_1328 masked %eq3A_101 : memref<320xf32, #tpu.memory_space<vmem>>[vector<16xi32>], vector<16xf32>, vector<16xi1>
        %mul3A_1334 = arith.constant 40 : i32
        %mul3A_1335 = arith.muli %scan3A_114, %mul3A_1334 : i32
        %add3A_1336 = arith.constant 39 : i32
        %add3A_1337 = arith.addi %mul3A_1335, %add3A_1336 : i32
        %get3A_1338 = arith.index_cast %add3A_1337 : i32 to index
        %get3A_1339 = arith.constant 0 : index
        %get3A_1340 = tpu.vector_load %arg11[%get3A_1338, %get3A_1339] {strides = array<i32>} : memref<640x64xf32, #tpu.memory_space<vmem>>, vector<16xf32>,
        %mul3A_1341 = arith.mulf %get3A_1340, %get3A_117 : vector<16xf32>
        %get3A_1342 = arith.index_cast %add3A_1337 : i32 to index
        %get3A_1343 = arith.constant 16 : index
        %get3A_1344 = tpu.vector_load %arg11[%get3A_1342, %get3A_1343] {strides = array<i32>} : memref<640x64xf32, #tpu.memory_space<vmem>>, vector<16xf32>,
        %mul3A_1345 = arith.mulf %get3A_1344, %get3A_120 : vector<16xf32>
        %add3A_1346 = arith.addf %mul3A_1341, %mul3A_1345 : vector<16xf32>
        %get3A_1347 = arith.index_cast %add3A_1337 : i32 to index
        %get3A_1348 = arith.constant 32 : index
        %get3A_1349 = tpu.vector_load %arg11[%get3A_1347, %get3A_1348] {strides = array<i32>} : memref<640x64xf32, #tpu.memory_space<vmem>>, vector<16xf32>,
        %mul3A_1350 = arith.mulf %get3A_1349, %get3A_123 : vector<16xf32>
        %add3A_1351 = arith.addf %add3A_1346, %mul3A_1350 : vector<16xf32>
        %get3A_1352 = arith.index_cast %add3A_1337 : i32 to index
        %get3A_1353 = arith.constant 48 : index
        %get3A_1354 = tpu.vector_load %arg11[%get3A_1352, %get3A_1353] {strides = array<i32>} : memref<640x64xf32, #tpu.memory_space<vmem>>, vector<16xf32>,
        %mul3A_1355 = arith.mulf %get3A_1354, %get3A_126 : vector<16xf32>
        %add3A_1356 = arith.addf %add3A_1351, %mul3A_1355 : vector<16xf32>
        %broadcast_in_dim3A_1357 = arith.constant true
        %broadcast_in_dim3A_1358 = vector.broadcast %broadcast_in_dim3A_1357 : i1 to vector<16xi1>
        %masked_cumsum3A_1359 = tpu.scan <sum>, %add3A_1356 masked %broadcast_in_dim3A_1358 : vector<16xf32>, vector<16xi1> -> vector<16xf32>
        %mul3A_1360 = arith.constant 20 : i32
        %mul3A_1361 = arith.muli %scan3A_114, %mul3A_1360 : i32
        %add3A_1362 = arith.constant 19 : i32
        %add3A_1363 = arith.addi %mul3A_1361, %add3A_1362 : i32
        %broadcast_in_dim3A_1364 = vector.broadcast %add3A_1363 : i32 to vector<16xi32>
        tpu.vector_store_idx %arg13[%broadcast_in_dim3A_1364], %masked_cumsum3A_1359 masked %eq3A_101 : memref<320xf32, #tpu.memory_space<vmem>>[vector<16xi32>], vector<16xf32>, vector<16xi1>
        %scan3A_1365 = arith.constant 0 : i32
        scf.yield %scan3A_1365 : i32
      }
      %scan3A_108 = arith.constant 16 : i32
      %mul3A_109 = arith.constant 20 : i32
      %mul3A_110 = arith.muli %add3A_13, %mul3A_109 : i32
      "tpu.region"() ({
        %run_scoped3A = tpu.sem_alloc : memref<!tpu.dma_semaphore, #tpu.memory_space<semaphore_mem>>
        %dma_start3A_114 = tpu.memref_slice %arg6[%mul3A_110] : memref<327680xf32, #tpu.memory_space<hbm>> -> memref<320xf32, #tpu.memory_space<hbm>>
        %dma_start3A_115 = tpu.memref_slice %arg6[%mul3A_110] : memref<327680xf32, #tpu.memory_space<hbm>> -> memref<320xf32, #tpu.memory_space<hbm>>
        tpu.enqueue_dma source(%arg12 : memref<320xf32, #tpu.memory_space<vmem>>) target(%dma_start3A_115 : memref<320xf32, #tpu.memory_space<hbm>>) target_semaphore(%run_scoped3A : memref<!tpu.dma_semaphore, #tpu.memory_space<semaphore_mem>>)
        %dma_wait3A_116 = tpu.memref_slice %arg6[%mul3A_110] : memref<327680xf32, #tpu.memory_space<hbm>> -> memref<320xf32, #tpu.memory_space<hbm>>
        %dma_wait3A_117 = tpu.memref_slice %arg6[%mul3A_110] : memref<327680xf32, #tpu.memory_space<hbm>> -> memref<320xf32, #tpu.memory_space<hbm>>
        tpu.wait_dma2 semaphore(%run_scoped3A : memref<!tpu.dma_semaphore, #tpu.memory_space<semaphore_mem>>) src(%arg12 : memref<320xf32, #tpu.memory_space<vmem>>) dst(%dma_wait3A_117 : memref<320xf32, #tpu.memory_space<hbm>>)
        tpu.yield
      }) : () -> ()
      %mul3A_111 = arith.constant 20 : i32
      %mul3A_112 = arith.muli %add3A_13, %mul3A_111 : i32
      "tpu.region"() ({
        %run_scoped3A = tpu.sem_alloc : memref<!tpu.dma_semaphore, #tpu.memory_space<semaphore_mem>>
        %dma_start3A_114 = tpu.memref_slice %arg7[%mul3A_112] : memref<327680xf32, #tpu.memory_space<hbm>> -> memref<320xf32, #tpu.memory_space<hbm>>
        %dma_start3A_115 = tpu.memref_slice %arg7[%mul3A_112] : memref<327680xf32, #tpu.memory_space<hbm>> -> memref<320xf32, #tpu.memory_space<hbm>>
        tpu.enqueue_dma source(%arg13 : memref<320xf32, #tpu.memory_space<vmem>>) target(%dma_start3A_115 : memref<320xf32, #tpu.memory_space<hbm>>) target_semaphore(%run_scoped3A : memref<!tpu.dma_semaphore, #tpu.memory_space<semaphore_mem>>)
        %dma_wait3A_116 = tpu.memref_slice %arg7[%mul3A_112] : memref<327680xf32, #tpu.memory_space<hbm>> -> memref<320xf32, #tpu.memory_space<hbm>>
        %dma_wait3A_117 = tpu.memref_slice %arg7[%mul3A_112] : memref<327680xf32, #tpu.memory_space<hbm>> -> memref<320xf32, #tpu.memory_space<hbm>>
        tpu.wait_dma2 semaphore(%run_scoped3A : memref<!tpu.dma_semaphore, #tpu.memory_space<semaphore_mem>>) src(%arg13 : memref<320xf32, #tpu.memory_space<vmem>>) dst(%dma_wait3A_117 : memref<320xf32, #tpu.memory_space<hbm>>)
        tpu.yield
      }) : () -> ()
      %scan3A_113 = arith.constant 0 : i32
      scf.yield %scan3A_113 : i32
    }
    %scan3A_8 = arith.constant 32 : i32
    return
  }
}

module attributes {stable_mosaic.version = 14 : i64} {
  func.func @_loss_body(%arg0: memref<2560x128xf32, #tpu.memory_space<vmem>>, %arg1: memref<2560x128xf32, #tpu.memory_space<vmem>>, %arg2: memref<1x1xf32, #tpu.memory_space<smem>>) attributes {dimension_semantics = [], scalar_prefetch = 0 : i64, scratch_operands = 0 : i64, tpu.core_type = #tpu.core_type<tc>} {
    %get3A = arith.constant 0 : index
    %get3A_0 = arith.constant 0 : index
    %get3A_1 = vector.load %arg0[%get3A, %get3A_0] : memref<2560x128xf32, #tpu.memory_space<vmem>>, vector<2560x128xf32>
    %get3A_2 = arith.constant 0 : index
    %get3A_3 = arith.constant 0 : index
    %get3A_4 = vector.load %arg1[%get3A_2, %get3A_3] : memref<2560x128xf32, #tpu.memory_space<vmem>>, vector<2560x128xf32>
    %neg3A = arith.constant 0.000000e+00 : f32
    %neg3A_5 = vector.broadcast %neg3A : f32 to vector<2560x128xf32>
    %neg3A_6 = arith.subf %neg3A_5, %get3A_1 : vector<2560x128xf32>
    %exp3A = math.exp %neg3A_6 : vector<2560x128xf32>
    %add3A = arith.constant 1.000000e+00 : f32
    %add3A_7 = vector.broadcast %add3A : f32 to vector<2560x128xf32>
    %add3A_8 = arith.addf %add3A_7, %exp3A : vector<2560x128xf32>
    %div3A = arith.constant 1.000000e+00 : f32
    %div3A_9 = vector.broadcast %div3A : f32 to vector<2560x128xf32>
    %div3A_10 = arith.divf %div3A_9, %add3A_8 : vector<2560x128xf32>
    %neg3A_11 = arith.constant 0.000000e+00 : f32
    %neg3A_12 = vector.broadcast %neg3A_11 : f32 to vector<2560x128xf32>
    %neg3A_13 = arith.subf %neg3A_12, %get3A_4 : vector<2560x128xf32>
    %exp3A_14 = math.exp %neg3A_13 : vector<2560x128xf32>
    %add3A_15 = arith.constant 1.000000e+00 : f32
    %add3A_16 = vector.broadcast %add3A_15 : f32 to vector<2560x128xf32>
    %add3A_17 = arith.addf %add3A_16, %exp3A_14 : vector<2560x128xf32>
    %div3A_18 = arith.constant 1.000000e+00 : f32
    %div3A_19 = vector.broadcast %div3A_18 : f32 to vector<2560x128xf32>
    %div3A_20 = arith.divf %div3A_19, %add3A_17 : vector<2560x128xf32>
    %log3A = math.log %div3A_10 : vector<2560x128xf32>
    %reduce_sum3A = vector.shape_cast %log3A : vector<2560x128xf32> to vector<1x2560x128xf32>
    %reduce_sum3A_21 = arith.constant dense<0.000000e+00> : vector<1xf32>
    %reduce_sum3A_22 = vector.multi_reduction <add>, %reduce_sum3A, %reduce_sum3A_21 [1, 2] : vector<1x2560x128xf32> to vector<1xf32>
    %reduce_sum3A_23 = vector.shape_cast %reduce_sum3A_22 : vector<1xf32> to vector<1x1x1xf32>
    %reduce_sum3A_24 = vector.extract %reduce_sum3A_23[0, 0, 0] : f32 from vector<1x1x1xf32>
    %neg3A_25 = arith.constant 0.000000e+00 : f32
    %neg3A_26 = arith.subf %neg3A_25, %reduce_sum3A_24 : f32
    %mul3A = arith.constant 3.05175786E-6 : f32
    %mul3A_27 = arith.mulf %neg3A_26, %mul3A : f32
    %sub3A = arith.constant 1.000000e+00 : f32
    %sub3A_28 = vector.broadcast %sub3A : f32 to vector<2560x128xf32>
    %sub3A_29 = arith.subf %sub3A_28, %div3A_20 : vector<2560x128xf32>
    %add3A_30 = arith.constant 1.000000e-03 : f32
    %add3A_31 = vector.broadcast %add3A_30 : f32 to vector<2560x128xf32>
    %add3A_32 = arith.addf %sub3A_29, %add3A_31 : vector<2560x128xf32>
    %log3A_33 = math.log %add3A_32 : vector<2560x128xf32>
    %reduce_sum3A_34 = vector.shape_cast %log3A_33 : vector<2560x128xf32> to vector<1x2560x128xf32>
    %reduce_sum3A_35 = arith.constant dense<0.000000e+00> : vector<1xf32>
    %reduce_sum3A_36 = vector.multi_reduction <add>, %reduce_sum3A_34, %reduce_sum3A_35 [1, 2] : vector<1x2560x128xf32> to vector<1xf32>
    %reduce_sum3A_37 = vector.shape_cast %reduce_sum3A_36 : vector<1xf32> to vector<1x1x1xf32>
    %reduce_sum3A_38 = vector.extract %reduce_sum3A_37[0, 0, 0] : f32 from vector<1x1x1xf32>
    %neg3A_39 = arith.constant 0.000000e+00 : f32
    %neg3A_40 = arith.subf %neg3A_39, %reduce_sum3A_38 : f32
    %mul3A_41 = arith.constant 3.05175786E-6 : f32
    %mul3A_42 = arith.mulf %neg3A_40, %mul3A_41 : f32
    %add3A_43 = arith.addf %mul3A_27, %mul3A_42 : f32
    %swap3A = arith.constant 0 : index
    %swap3A_44 = arith.constant 0 : index
    %swap3A_45 = memref.load %arg2[%swap3A, %swap3A_44] : memref<1x1xf32, #tpu.memory_space<smem>>
    memref.store %add3A_43, %arg2[%swap3A, %swap3A_44] : memref<1x1xf32, #tpu.memory_space<smem>>
    return
  }
}

</mosaic_0001>

<sc_bundles>
// kernel: kernel.4.cloned.1.call-start
scs
__scs_entry_jumppad:
0x0: {  	(pc) =	sbr.rel $0x88, $3  }
0x1: {  	(tag) =	ssettag $0x0;
	lr =	simm.s32 $0x1  }
0x2: {  	[smem:$0x3F9C] =	sst lr;
	_ =	strace $0xD0000000  }
0x3: {  	_ = 	snop  }
0x4: {  	_ = 	snop  }
0x5: {  	_ = 	snop  }
0x6: {  	_ = 	snop  }
0x7: {  	_ = 	snop  }
__scs_overlays_trampoline_lowered:
0x8: {  	[smem:$0x3FAB] =	sst s0  }
0x9: {  	[smem:$0x3FAC] =	sst s1  }
0xa: {  	[smem:$0x3FAD] =	sst s2  }
0xb: {  	[smem:$0x3FAE] =	sst s3  }
0xc: {  	[smem:$0x3FAF] =	sst s4  }
0xd: {  	[smem:$0x3FB0] =	sst s5  }
0xe: {  	[smem:$0x3FB1] =	sst s6  }
0xf: {  	[smem:$0x3FB2] =	sst s7  }
0x10: {  	[smem:$0x3FB3] =	sst s8  }
0x11: {  	[smem:$0x3FB4] =	sst s9;
	s0 =	simm.s32 @!p0 $0x0  }
0x12: {  	s1 =	sld [smem:$0x3F9A];
	s0 =	simm.s32 @p0 $0x1  }
0x13: {  	[smem:$0x3FB5] =	sst s0;
	s0 =	simm.s32 @!p1 $0x0  }
0x14: {  	s2 =	sld [smem:$0x3F99];
	s0 =	simm.s32 @p1 $0x1  }
0x15: {  	[smem:$0x3FB6] =	sst s0;
	s0 =	simm.s32 @!p2 $0x0  }
0x16: {  	s3 =	sld [smem:$0x3FDB];
	s0 =	simm.s32 @p2 $0x1  }
0x17: {  	s4 =	simm.s32 $0x1BF5;
	[smem:$0x3FB8] =	sst s0  }
0x18: {  	s0 =	sld [smem:$0x3F9B];
	_ =	swait.ge [sflag:s4], $0x0  }
0x19: {  	s7 =	sld [smem:$0x3F9C]  }
0x1a: {  	s8 =	sadd.s32 $0xFFFFE003, lr  }
0x1b: {  	s9 =	sadd.s32 $0xFFFFFEF7, lr;
	s5 =	simm.s32 $0xFFFFFFFF;
	p2 =	slt.u32 s8, $0xFFFFF086  }
0x1c: {  	p1 =	slt.u32 s9, $0xF7A;
	s5 =	simm.s32 @!p2 $0x0  }
0x1d: {  	s5 =	simm.s32 @p1 $0x1;
	p0 =	seq.s32 s7, s2  }
0x1e: {  	s7 =	smul.u32 @!p0 $0xF7A, s2;
	p2 =	seq.s32 @!p0 s5, $0x0  }
0x1f: {  	s9 =	smul.u32 $0xF7A, s1;
	s8 =	simm.s32 @!p0 $0x1BF5;
	p2 =	por !p2, p0  }
0x20: {  	[sflag:s8] =	ssyncset.s32 @!p0 $0xFFFFF086;
	s6 =	sadd.s32 @!p0 s3, s7;
	s7 =	simm.s32 @!p0 $0x108  }
0x21: {  	s3 =	sadd.s32 s3, s9;
	s6 =	sadd.s32 @!p0 $0x88, s6;
	s7 =	simm.s32 @p2 $0x1082  }
0x22: {  	[simem:s7], [sflag:s8] =	dma.local @!p0 [hbm:s6], $0xF7A  }
0x23: {  	s9 =	sor.u32 $0xD0000000, s2;
	s6 =	simm.s32 $0x108;
	_ =	swait.ge @!p0 [sflag:s8], $0x0  }
0x24: {  	s3 =	sadd.s32 $0x88, s3;
	s6 =	simm.s32 @!p1 $0x1082;
	[sflag:s4] =	ssyncset.s32 $0xFFFFF086  }
0x25: {  	[simem:s6], [sflag:s4] =	dma.local [hbm:s3], $0xF7A  }
0x26: {  	[smem:$0x3F9C] =	sst s1;
	(tag) =	ssettag s2;
	_ =	strace s9  }
0x27: {  	s1 =	sld [smem:$0x3FAC]  }
0x28: {  	s2 =	sld [smem:$0x3FAD]  }
0x29: {  	s4 =	sld [smem:$0x3FAF]  }
0x2a: {  	p0 =	seq.s32 s5, $0x0;
	s5 =	sld [smem:$0x3FB0]  }
0x2b: {  	s6 =	sld [smem:$0x3FB1]  }
0x2c: {  	s7 =	sld [smem:$0x3FB2]  }
0x2d: {  	s3 =	simm.s32 $0x108;
	s8 =	sld [smem:$0x3FB3]  }
0x2e: {  	s3 =	simm.s32 @!p0 $0x1082;
	s9 =	sld [smem:$0x3FB4]  }
0x2f: {  	lr =	sadd.s32 s0, s3;
	s0 =	sld [smem:$0x3FAB]  }
0x30: {  	s3 =	sld [smem:$0x3FAE]  }
0x31: {  	[smem:$0x3FB7] =	sst s10  }
0x32: {  	s10 =	sld [smem:$0x3FB5];
	_ =	sdelay $0x3  }
0x33: {  	p0 =	seq.s32 s10, $0x1;
	s10 =	sld [smem:$0x3FB7];
	_ =	sdelay $0x3  }
0x34: {  	[smem:$0x3FB7] =	sst s10  }
0x35: {  	s10 =	sld [smem:$0x3FB6];
	_ =	sdelay $0x3  }
0x36: {  	p1 =	seq.s32 s10, $0x1;
	s10 =	sld [smem:$0x3FB7];
	_ =	sdelay $0x3  }
0x37: {  	[smem:$0x3FB7] =	sst s10  }
0x38: {  	s10 =	sld [smem:$0x3FB8]  }
0x39: {  	_ = 	snop;
	(pc) =	sbr.ind lr, $3  }
0x3a: {  	_ = 	snop  }
0x3b: {  	_ = 	snop  }
0x3c: {  	p2 =	seq.s32 s10, $0x1;
	s10 =	sld [smem:$0x3FB7]  }
0x3d: {  	_ =	shalt  }
0x3e: {  	_ =	shalt  }
0x3f: {  	_ =	shalt  }
0x40: {  	_ =	shalt  }
0x41: {  	_ =	shalt  }
0x42: {  	_ =	shalt  }
0x43: {  	_ =	shalt  }
0x44: {  	_ =	shalt  }
0x45: {  	_ =	shalt  }
0x46: {  	_ =	shalt  }
0x47: {  	_ =	shalt  }
0x48: {  	_ =	shalt  }
0x49: {  	_ =	shalt  }
0x4a: {  	_ =	shalt  }
0x4b: {  	_ =	shalt  }
0x4c: {  	_ =	shalt  }
0x4d: {  	_ =	shalt  }
0x4e: {  	_ =	shalt  }
0x4f: {  	_ =	shalt  }
0x50: {  	_ =	shalt  }
0x51: {  	_ =	shalt  }
0x52: {  	_ =	shalt  }
0x53: {  	_ =	shalt  }
0x54: {  	_ =	shalt  }
0x55: {  	_ =	shalt  }
0x56: {  	_ =	shalt  }
0x57: {  	_ =	shalt  }
0x58: {  	_ =	shalt  }
0x59: {  	_ =	shalt  }
0x5a: {  	_ =	shalt  }
0x5b: {  	_ =	shalt  }
0x5c: {  	_ =	shalt  }
0x5d: {  	_ =	shalt  }
0x5e: {  	_ =	shalt  }
0x5f: {  	_ =	shalt  }
0x60: {  	_ =	shalt  }
0x61: {  	_ =	shalt  }
0x62: {  	_ =	shalt  }
0x63: {  	_ =	shalt  }
0x64: {  	_ =	shalt  }
0x65: {  	_ =	shalt  }
0x66: {  	_ =	shalt  }
0x67: {  	_ =	shalt  }
0x68: {  	_ =	shalt  }
0x69: {  	_ =	shalt  }
0x6a: {  	_ =	shalt  }
0x6b: {  	_ =	shalt  }
0x6c: {  	_ =	shalt  }
0x6d: {  	_ =	shalt  }
0x6e: {  	_ =	shalt  }
0x6f: {  	_ =	shalt  }
0x70: {  	_ =	shalt  }
0x71: {  	_ =	shalt  }
0x72: {  	_ =	shalt  }
0x73: {  	_ =	shalt  }
0x74: {  	_ =	shalt  }
0x75: {  	_ =	shalt  }
0x76: {  	_ =	shalt  }
0x77: {  	_ =	shalt  }
0x78: {  	_ =	shalt  }
0x79: {  	_ =	shalt  }
0x7a: {  	_ =	shalt  }
0x7b: {  	_ =	shalt  }
0x7c: {  	_ =	shalt  }
0x7d: {  	_ =	shalt  }
0x7e: {  	_ =	shalt  }
0x7f: {  	_ =	shalt  }
0x80: {  	_ =	shalt  }
0x81: {  	_ =	shalt  }
0x82: {  	_ =	shalt  }
0x83: {  	_ =	shalt  }
0x84: {  	_ =	shalt  }
0x85: {  	_ =	shalt  }
0x86: {  	_ =	shalt  }
0x87: {  	_ =	shalt  }
.Lfunc_end0:
.L_simem_size_0:
called_computation_lowered:
.L_overlay_start_0:
0x88: {  	s2 =	sld [smem:$0x3FD9]  }
0x89: {  	s3 =	sld [smem:$0x3FFE];
	_ =	sdelay $0x1  }
0x8a: {  	s1 =	srdreg.scid  }
0x8b: {  	s0 =	sand.u32 $0x1, s1  }
0x8c: {  	s17 =	sshll.u32 s0, $0xA;
	s2 =	sadd.s32 s3, s2  }
0x8d: {  	s2 =	sadd.s32 s2, s17  }
0x8e: {  	[smem:$0x3FC3] =	sst s2  }
0x8f: {  	_ = 	snop  }
0x90: {  	s2 =	sld [smem:$0x3FC9];
	(tm) =	ssettm $0x1  }
0x91: {  	s18 =	sld [smem:$0x3FFB];
	_ =	sdelay $0x3  }
0x92: {  	_ =	strace s18  }
0x93: {  	s3 =	sld [smem:$0x3FFC];
	_ =	sdelay $0x3  }
0x94: {  	_ =	strace s3  }
0x95: {  	s3 =	sld [smem:$0x3FFD];
	_ =	sdelay $0x3  }
0x96: {  	_ =	strace s3  }
0x97: {  	_ =	strace $0x8FFFFFFF  }
0x98: {  	s19 =	sld [smem:$0x3FDB];
	_ =	sdelay $0x1  }
0x99: {  	s4 =	simm.s32 $_scs_section_size  }
0x9a: {  	s5 =	simm.s32 $_size__tile_overlayer_lowered;
	s6 =	simm.s32 $_tile_overlayer_lowered  }
0x9b: {  	s22 =	simm.s32 $0x1BFF;
	s21 =	sshll.u32 s6, $0x1;
	s3 =	sadd.s32 s4, s19  }
0x9c: {  	s7 =	simm.s32 $0x0;
	s20 =	sshll.u32 s5, $0x1;
	s5 =	sadd.s32 s21, s3  }
0x9d: {  	[timem:s7], [sflag:s22] =	dma.local [hbm:s5], s20  }
0x9e: {  	_ =	swait.ge [sflag:s22], s20  }
0x9f: {  	s4 =	ssub.s32 $0x0, s20;
	[sflag:s22] =	ssyncset.done $0x0  }
0xa0: {  	[sflag:s22] =	ssyncadd.s32 s4;
	_ =	sdelay $0x1  }
0xa1: {  	s23 =	simm.s32 $0x1B8B  }
0xa2: {  	_ =	swait.ge [sflag:s23], $0x1  }
0xa3: {  	[sflag:s23] =	ssyncset.done $0x0  }
0xa4: {  	s25 =	simm.s32 $0x1B8E;
	s24 =	sld [smem:$0x3FFE];
	[sflag:s23] =	ssyncadd.s32 $0xFFFFFFFF  }
0xa5: {  	s26 =	simm.s32 $execute0_lowered;
	[smem:$0x3FD2] =	sst s25  }
0xa6: {  	s5 =	sshll.u32 s26, $0x1;
	_ =	strace $0x80000046;
	[dreg:$0x1] =	wrdreg $0xFFFFFFFF  }
0xa7: {  	s28 =	simm.s32 $_size_execute0_lowered;
	s3 =	sadd.s32 s3, s5;
	[dreg:$0x0] =	wrdreg $0x0  }
0xa8: {  	s5 =	sshll.u32 s28, $0x1;
	[dreg:$0x2] =	wrdreg s3  }
0xa9: {  	[dreg:$0x3] =	wrdreg s5  }
0xaa: {  	[dreg:$0x4] =	wrdreg $0xC0  }
0xab: {  	_ =	task [dreg:s7], $0x5FFFF  }
0xac: {  	[dreg:$0x1] =	wrdreg $0xFFFFFFFF  }
0xad: {  	[dreg:$0x0] =	wrdreg $0x60  }
0xae: {  	[dreg:$0x2] =	wrdreg s2  }
0xaf: {  	[dreg:$0x3] =	wrdreg s24  }
0xb0: {  	[dreg:$0x4] =	wrdreg $0x9  }
0xb1: {  	_ =	task.clear_ibuf [dreg:s7], $0x5FFFF;
	_ =	strace $0x90000046  }
0xb2: {  	s29 =	simm.s32 $0x9;
	_ =	strace $0x80000048  }
0xb3: {  	_ =	swait.ge [sflag:s29], $0x1  }
0xb4: {  	[sflag:s29] =	ssyncadd.s32 $0xFFFFFFFF  }
0xb5: {  	_ =	strace $0x90000048  }
0xb6: {  	_ =	sfence  }
0xb7: {  	s30 =	sld [smem:$0x0];
	_ =	sdelay $0x2  }
0xb8: {  	s31 =	sshll.u32 s1, $0xD;
	s1 =	sshrl.u32 s1, $0x2  }
0xb9: {  	s3 =	sand.u32 $0x4000, s31;
	s1 =	sadd.s32 s1, s30  }
0xba: {  	s0 =	sor.u32 s3, s0;
	s1 =	sshll.u32 s1, $0x11  }
0xbb: {  	s0 =	sor.u32 s1, s0  }
0xbc: {  	s0 =	sadd.s32 $0x8F2B, s0  }
0xbd: {  	[sflag:s0] =	ssyncadd.remote.s32 $0x1  }
0xbe: {  	_ =	sfence.sel $0xFFFF  }
0xbf: {  	[dreg:$0x0] =	wrdreg $0xFFFFFFFF;
	(pc) =	sbr.abs _section_cstart, $3  }
0xc0: {  	[dreg:$0x1] =	wrdreg $0xFFFFFFFF  }
0xc1: {  	_ =	task.clear_ibuf [dreg:s7], $0x2FFFF;
	_ =	strace $0x9FFFFFFF  }
0xc2: {  	(tm) =	ssettm $0x7FFFFFFF  }
0xc3: {  	_ =	shalt  }
tec
execute0_lowered:
.L_overlay_start_1:
0x0: {  	(tag) =	ssettag $0x1  }
0x1: {  	s1 =	rddreg [dreg:$0x0]  }
0x2: {  	s0 =	rddreg [dreg:$0x1];
	s2 =	simm.s32 $0x0  }
0x3: {  	s4 =	srdreg.scid;
	s11 =	stileid.u32;
	s12 =	simm.s32 $0x10  }
0x4: {  	s13 =	simm.s32 $0x290;
	s14 =	simm.s32 $0x80;
	s15 =	simm.s32 $0x690  }
0x5: {  	s16 =	simm.s32 $0x90;
	s17 =	simm.s32 $0x2690;
	s18 =	simm.s32 $0x110  }
0x6: {  	s19 =	simm.s32 $0x4690;
	s20 =	simm.s32 $0x190;
	s21 =	simm.s32 $0x6690  }
0x7: {  	s22 =	simm.s32 $0x210;
	s23 =	simm.s32 $0x8690;
	s24 =	simm.s32 $0x1  }
0x8: {  	s25 =	simm.s32 $0x2;
	s26 =	simm.s32 $0xA690;
	s28 =	simm.s32 $0xA7D0  }
0x9: {  	[smem:$0x7FF] =	sst s2;
	s3 =	sadd.s32 $0x1000, s0;
	s4 =	sand.u32 $0x1, s4  }
0xa: {  	s5 =	sadd.s32 $0x16E4600, s0;
	s6 =	sadd.s32 $0xF43400, s0;
	s8 =	ssub.s32 $0x2, s4  }
0xb: {  	s7 =	sadd.s32 $0x15000, s0;
	s30 =	sshll.u32 s11, $0xA;
	s9 =	sshrl.u32 s8, $0x1  }
0xc: {  	s11 =	simm.s32 $0x3;
	_ =	strace $0x80000047;
	s10 =	ssub.s32 s8, s9  }
0xd: {  	s4 =	sshll.u32 s4, $0x9;
	s8 =	sadd.s32 $0x1F000, s0;
	s31 =	smax.u32 s10, $0x1  }
0xe: {  	vm0 =	vcmask $0x3F3C;
	s9 =	sor.u32 s4, s30;
	s4 =	simm.s32 $0x0;
	[dreg:$0x3] =	wrdreg s31  }
.LBB2_1:
0xf: {  	[dreg:$0x4] =	wrdreg s4;
	s30 =	simm.s32 $0x0  }
.LBB2_2:
0x10: {  	s0 =	sshll.u32 s30, $0x4  }
0x11: {  	s31 =	sadd.s32 s9, s0  }
0x12: {  	s0 =	sshrl.u32 s31, $0x3  }
0x13: {  	s0 =	sadd.s32 s1, s0  }
0x14: {  	[tilespmem:s2], [sflag:$0x3] =	stream.linear.gather [hbm4b:s0+s2], $0x10, $0x38;
	[tilespmem:$0xA910] =	vst v63  }
0x15: {  	s29 =	smul.u32 $0x5, s31;
	_ =	swait.ge [sflag:s11], $0x10  }
0x16: {  	[sflag:s11] =	ssyncset.done $0x0  }
0x17: {  	s0 =	sadd.s32 s3, s29;
	[sflag:s11] =	ssyncadd.s32 $0xFFFFFFF0  }
0x18: {  	[tilespmem:s12], [sflag:$0x3] =	stream.linear.gather [hbm4b:s0+s2], $0x280, $0x38;
	[tilespmem:$0xA910] =	vst v63  }
0x19: {  	_ =	swait.ge [sflag:s11], $0x280  }
0x1a: {  	[sflag:s11] =	ssyncset.done $0x0  }
0x1b: {  	[sflag:s11] =	ssyncadd.s32 $0xFFFFFD80  }
0x1c: {  	[tilespmem:s13], [sflag:$0x1] =	stream.indirect.gather [hbm4b:s5+s12], $0x40, s2, s12, $0xb8;
	[tilespmem:$0xA910] =	vst v63  }
0x1d: {  	_ = 	snop  }
0x1e: {  	[tilespmem:s15], [sflag:$0x2] =	stream.indirect.gather [hbm4b:s6+s14], $0x40, s12, s14, $0xb8;
	[tilespmem:$0xA910] =	vst v63  }
0x1f: {  	_ = 	snop  }
0x20: {  	[tilespmem:s17], [sflag:$0x2] =	stream.indirect.gather [hbm4b:s6+s14], $0x40, s16, s14, $0xb8;
	[tilespmem:$0xA910] =	vst v63  }
0x21: {  	_ = 	snop  }
0x22: {  	[tilespmem:s19], [sflag:$0x2] =	stream.indirect.gather [hbm4b:s6+s14], $0x40, s18, s14, $0xb8;
	[tilespmem:$0xA910] =	vst v63  }
0x23: {  	_ = 	snop  }
0x24: {  	[tilespmem:s21], [sflag:$0x2] =	stream.indirect.gather [hbm4b:s6+s14], $0x40, s20, s14, $0xb8;
	[tilespmem:$0xA910] =	vst v63  }
0x25: {  	_ = 	snop  }
0x26: {  	[tilespmem:s23], [sflag:$0x2] =	stream.indirect.gather [hbm4b:s6+s14], $0x40, s22, s14, $0xb8;
	[tilespmem:$0xA910] =	vst v63  }
0x27: {  	_ =	swait.ge [sflag:s24], $0x400  }
0x28: {  	[sflag:s24] =	ssyncset.done $0x0  }
0x29: {  	[sflag:s24] =	ssyncadd.s32 $0xFFFFFC00  }
0x2a: {  	_ =	swait.ge [sflag:s25], $0x2000  }
0x2b: {  	[sflag:s25] =	ssyncset.done $0x0  }
0x2c: {  	[sflag:s25] =	ssyncadd.s32 $0xFFFFE000  }
0x2d: {  	_ =	swait.ge [sflag:s25], $0x2000  }
0x2e: {  	[sflag:s25] =	ssyncset.done $0x0  }
0x2f: {  	[sflag:s25] =	ssyncadd.s32 $0xFFFFE000  }
0x30: {  	_ =	swait.ge [sflag:s25], $0x2000  }
0x31: {  	[sflag:s25] =	ssyncset.done $0x0  }
0x32: {  	[sflag:s25] =	ssyncadd.s32 $0xFFFFE000  }
0x33: {  	_ =	swait.ge [sflag:s25], $0x2000  }
0x34: {  	[sflag:s25] =	ssyncset.done $0x0  }
0x35: {  	[sflag:s25] =	ssyncadd.s32 $0xFFFFE000  }
0x36: {  	_ =	swait.ge [sflag:s25], $0x2000  }
0x37: {  	s4 =	simm.s32 $0xB90;
	[sflag:s25] =	ssyncset.done $0x0  }
0x38: {  	s10 =	simm.s32 $0x2B0;
	s0 =	simm.s32 $0x13;
	[sflag:s25] =	ssyncadd.s32 $0xFFFFE000  }
.LBB2_3:
0x39: {  	v0 =	vld [tilespmem:s10+$0xFFFFFFE0]  }
0x3a: {  	v1 =	vld [tilespmem:s10+$0xFFFFFFF0]  }
0x3b: {  	v4 =	vld [tilespmem:s4+$0xFFFFFB00]  }
0x3c: {  	v5 =	vld [tilespmem:s4+$0xFFFFFB10]  }
0x3d: {  	v2 =	vld [tilespmem:s10+$0x0]  }
0x3e: {  	v6 =	vld [tilespmem:s4+$0xFFFFFB20]  }
0x3f: {  	v3 =	vld [tilespmem:s10+$0x10]  }
0x40: {  	v7 =	vld [tilespmem:s4+$0xFFFFFB30]  }
0x41: {  	v4 =	vmul.f32 v4, v0;
	v5 =	vmul.f32 v5, v1;
	_ =	sdelay $0x1  }
0x42: {  	v34 =	vmul.f32 v6, v2;
	v4 =	vadd.f32 v5, v4;
	_ =	sdelay $0x1  }
0x43: {  	v35 =	vmul.f32 v7, v3;
	v4 =	vadd.f32 v34, v4;
	_ =	sdelay $0x1  }
0x44: {  	v4 =	vadd.f32 v35, v4;
	_ =	sdelay $0x1  }
0x45: {  	(xrf2) =	vadd.scan.msk.f32 $0xffff, v4;
	_ =	sdelay $0x1  }
0x46: {  	s29 =	sadd.s32 $0xFFFFFFED, s0  }
0x47: {  	v36 =	vmov s29  }
0x48: {  	v4 =	vand.u32 $0xFFFFFFFC, v36  }
0x49: {  	v4 =	vbroadcast v4, $0x0;
	_ =	sdelay $0x4  }
0x4a: {  	v37, _, _ =	vpop (xrf2)  }
0x4b: {  	[tilespmem:v4+s26+$0x0] =	vst.idx.msk vm0, v37  }
0x4c: {  	v5 =	vld [tilespmem:s4+$0xFFFFFB40]  }
0x4d: {  	v38 =	vld [tilespmem:s4+$0xFFFFFB50];
	_ =	sdelay $0x1  }
0x4e: {  	v39 =	vld [tilespmem:s4+$0xFFFFFB60];
	_ =	sdelay $0x1  }
0x4f: {  	v8 =	vld [tilespmem:s4+$0xFFFFFB70]  }
0x50: {  	v5 =	vmul.f32 v5, v0;
	v6 =	vmul.f32 v38, v1;
	_ =	sdelay $0x1  }
0x51: {  	v40 =	vmul.f32 v39, v2;
	v5 =	vadd.f32 v6, v5;
	_ =	sdelay $0x1  }
0x52: {  	v41 =	vmul.f32 v8, v3;
	v5 =	vadd.f32 v40, v5;
	_ =	sdelay $0x1  }
0x53: {  	v5 =	vadd.f32 v41, v5;
	_ =	sdelay $0x1  }
0x54: {  	(xrf2) =	vadd.scan.msk.f32 $0xffff, v5;
	_ =	sdelay $0x1  }
0x55: {  	s29 =	sadd.s32 $0xFFFFFFEE, s0  }
0x56: {  	v42 =	vmov s29  }
0x57: {  	v5 =	vand.u32 $0xFFFFFFFD, v42  }
0x58: {  	v5 =	vbroadcast v5, $0x0;
	_ =	sdelay $0x4  }
0x59: {  	v43, _, _ =	vpop (xrf2)  }
0x5a: {  	[tilespmem:v5+s26+$0x0] =	vst.idx.msk vm0, v43  }
0x5b: {  	v6 =	vld [tilespmem:s4+$0xFFFFFB80]  }
0x5c: {  	v44 =	vld [tilespmem:s4+$0xFFFFFB90];
	_ =	sdelay $0x1  }
0x5d: {  	v45 =	vld [tilespmem:s4+$0xFFFFFBA0];
	_ =	sdelay $0x1  }
0x5e: {  	v9 =	vld [tilespmem:s4+$0xFFFFFBB0]  }
0x5f: {  	v6 =	vmul.f32 v6, v0;
	v7 =	vmul.f32 v44, v1;
	_ =	sdelay $0x1  }
0x60: {  	v46 =	vmul.f32 v45, v2;
	v6 =	vadd.f32 v7, v6;
	_ =	sdelay $0x1  }
0x61: {  	v47 =	vmul.f32 v9, v3;
	v6 =	vadd.f32 v46, v6;
	_ =	sdelay $0x1  }
0x62: {  	v6 =	vadd.f32 v47, v6;
	_ =	sdelay $0x1  }
0x63: {  	(xrf2) =	vadd.scan.msk.f32 $0xffff, v6;
	_ =	sdelay $0x1  }
0x64: {  	s29 =	sadd.s32 $0xFFFFFFEF, s0  }
0x65: {  	v48 =	vmov s29  }
0x66: {  	v6 =	vand.u32 $0xFFFFFFFE, v48  }
0x67: {  	v6 =	vbroadcast v6, $0x0;
	_ =	sdelay $0x4  }
0x68: {  	v49, _, _ =	vpop (xrf2)  }
0x69: {  	[tilespmem:v6+s26+$0x0] =	vst.idx.msk vm0, v49  }
0x6a: {  	v7 =	vld [tilespmem:s4+$0xFFFFFBC0]  }
0x6b: {  	v50 =	vld [tilespmem:s4+$0xFFFFFBD0];
	_ =	sdelay $0x1  }
0x6c: {  	v51 =	vld [tilespmem:s4+$0xFFFFFBE0];
	_ =	sdelay $0x1  }
0x6d: {  	v10 =	vld [tilespmem:s4+$0xFFFFFBF0]  }
0x6e: {  	v7 =	vmul.f32 v7, v0;
	v8 =	vmul.f32 v50, v1;
	_ =	sdelay $0x1  }
0x6f: {  	v52 =	vmul.f32 v51, v2;
	v7 =	vadd.f32 v8, v7;
	_ =	sdelay $0x1  }
0x70: {  	v53 =	vmul.f32 v10, v3;
	v7 =	vadd.f32 v52, v7;
	_ =	sdelay $0x1  }
0x71: {  	v7 =	vadd.f32 v53, v7;
	_ =	sdelay $0x1  }
0x72: {  	(xrf2) =	vadd.scan.msk.f32 $0xffff, v7;
	_ =	sdelay $0x4  }
0x73: {  	s29 =	sadd.s32 $0xFFFFFFF0, s0  }
0x74: {  	v7 =	vmov s29;
	_ =	sdelay $0x3  }
0x75: {  	v54, _, _ =	vpop (xrf2)  }
0x76: {  	[tilespmem:v7+s26+$0x0] =	vst.idx.msk vm0, v54  }
0x77: {  	v8 =	vld [tilespmem:s4+$0xFFFFFC00]  }
0x78: {  	v55 =	vld [tilespmem:s4+$0xFFFFFC10];
	_ =	sdelay $0x1  }
0x79: {  	v56 =	vld [tilespmem:s4+$0xFFFFFC20];
	_ =	sdelay $0x1  }
0x7a: {  	v11 =	vld [tilespmem:s4+$0xFFFFFC30]  }
0x7b: {  	v8 =	vmul.f32 v8, v0;
	v9 =	vmul.f32 v55, v1;
	_ =	sdelay $0x1  }
0x7c: {  	v57 =	vmul.f32 v56, v2;
	v8 =	vadd.f32 v9, v8;
	_ =	sdelay $0x1  }
0x7d: {  	v58 =	vmul.f32 v11, v3;
	v8 =	vadd.f32 v57, v8;
	_ =	sdelay $0x1  }
0x7e: {  	v8 =	vadd.f32 v58, v8;
	_ =	sdelay $0x1  }
0x7f: {  	(xrf2) =	vadd.scan.msk.f32 $0xffff, v8;
	_ =	sdelay $0x1  }
0x80: {  	s29 =	sadd.s32 $0xFFFFFFF1, s0  }
0x81: {  	v59 =	vmov s29  }
0x82: {  	v8 =	vand.u32 $0xFFFFFFFC, v59  }
0x83: {  	v8 =	vbroadcast v8, $0x0;
	_ =	sdelay $0x4  }
0x84: {  	v60, _, _ =	vpop (xrf2)  }
0x85: {  	[tilespmem:v8+s26+$0x0] =	vst.idx.msk vm0, v60  }
0x86: {  	v9 =	vld [tilespmem:s4+$0xFFFFFC40]  }
0x87: {  	v61 =	vld [tilespmem:s4+$0xFFFFFC50];
	_ =	sdelay $0x1  }
0x88: {  	v62 =	vld [tilespmem:s4+$0xFFFFFC60];
	_ =	sdelay $0x1  }
0x89: {  	v12 =	vld [tilespmem:s4+$0xFFFFFC70]  }
0x8a: {  	v9 =	vmul.f32 v9, v0;
	v10 =	vmul.f32 v61, v1;
	_ =	sdelay $0x1  }
0x8b: {  	v63 =	vmul.f32 v62, v2;
	v9 =	vadd.f32 v10, v9;
	_ =	sdelay $0x1  }
0x8c: {  	v13 =	vmul.f32 v12, v3;
	v9 =	vadd.f32 v63, v9;
	_ =	sdelay $0x1  }
0x8d: {  	v9 =	vadd.f32 v13, v9;
	_ =	sdelay $0x1  }
0x8e: {  	(xrf2) =	vadd.scan.msk.f32 $0xffff, v9;
	_ =	sdelay $0x1  }
0x8f: {  	s29 =	sadd.s32 $0xFFFFFFF2, s0  }
0x90: {  	v14 =	vmov s29  }
0x91: {  	v9 =	vand.u32 $0xFFFFFFFD, v14  }
0x92: {  	v9 =	vbroadcast v9, $0x0;
	_ =	sdelay $0x4  }
0x93: {  	v15, _, _ =	vpop (xrf2)  }
0x94: {  	[tilespmem:v9+s26+$0x0] =	vst.idx.msk vm0, v15  }
0x95: {  	v10 =	vld [tilespmem:s4+$0xFFFFFC80]  }
0x96: {  	v16 =	vld [tilespmem:s4+$0xFFFFFC90];
	_ =	sdelay $0x1  }
0x97: {  	v17 =	vld [tilespmem:s4+$0xFFFFFCA0];
	_ =	sdelay $0x1  }
0x98: {  	v13 =	vld [tilespmem:s4+$0xFFFFFCB0]  }
0x99: {  	v10 =	vmul.f32 v10, v0;
	v11 =	vmul.f32 v16, v1;
	_ =	sdelay $0x1  }
0x9a: {  	v18 =	vmul.f32 v17, v2;
	v10 =	vadd.f32 v11, v10;
	_ =	sdelay $0x1  }
0x9b: {  	v19 =	vmul.f32 v13, v3;
	v10 =	vadd.f32 v18, v10;
	_ =	sdelay $0x1  }
0x9c: {  	v10 =	vadd.f32 v19, v10;
	_ =	sdelay $0x1  }
0x9d: {  	(xrf2) =	vadd.scan.msk.f32 $0xffff, v10;
	_ =	sdelay $0x1  }
0x9e: {  	s29 =	sadd.s32 $0xFFFFFFF3, s0  }
0x9f: {  	v20 =	vmov s29  }
0xa0: {  	v10 =	vand.u32 $0xFFFFFFFE, v20  }
0xa1: {  	v10 =	vbroadcast v10, $0x0;
	_ =	sdelay $0x4  }
0xa2: {  	v21, _, _ =	vpop (xrf2)  }
0xa3: {  	[tilespmem:v10+s26+$0x0] =	vst.idx.msk vm0, v21  }
0xa4: {  	v11 =	vld [tilespmem:s4+$0xFFFFFCC0]  }
0xa5: {  	v22 =	vld [tilespmem:s4+$0xFFFFFCD0];
	_ =	sdelay $0x1  }
0xa6: {  	v23 =	vld [tilespmem:s4+$0xFFFFFCE0];
	_ =	sdelay $0x1  }
0xa7: {  	v14 =	vld [tilespmem:s4+$0xFFFFFCF0]  }
0xa8: {  	v11 =	vmul.f32 v11, v0;
	v12 =	vmul.f32 v22, v1;
	_ =	sdelay $0x1  }
0xa9: {  	v24 =	vmul.f32 v23, v2;
	v11 =	vadd.f32 v12, v11;
	_ =	sdelay $0x1  }
0xaa: {  	v25 =	vmul.f32 v14, v3;
	v11 =	vadd.f32 v24, v11;
	_ =	sdelay $0x1  }
0xab: {  	v11 =	vadd.f32 v25, v11;
	_ =	sdelay $0x1  }
0xac: {  	(xrf2) =	vadd.scan.msk.f32 $0xffff, v11;
	_ =	sdelay $0x4  }
0xad: {  	s29 =	sadd.s32 $0xFFFFFFF4, s0  }
0xae: {  	v11 =	vmov s29;
	_ =	sdelay $0x3  }
0xaf: {  	v26, _, _ =	vpop (xrf2)  }
0xb0: {  	[tilespmem:v11+s26+$0x0] =	vst.idx.msk vm0, v26  }
0xb1: {  	v12 =	vld [tilespmem:s4+$0xFFFFFD00]  }
0xb2: {  	v27 =	vld [tilespmem:s4+$0xFFFFFD10];
	_ =	sdelay $0x1  }
0xb3: {  	v28 =	vld [tilespmem:s4+$0xFFFFFD20];
	_ =	sdelay $0x1  }
0xb4: {  	v15 =	vld [tilespmem:s4+$0xFFFFFD30]  }
0xb5: {  	v12 =	vmul.f32 v12, v0;
	v13 =	vmul.f32 v27, v1;
	_ =	sdelay $0x1  }
0xb6: {  	v29 =	vmul.f32 v28, v2;
	v12 =	vadd.f32 v13, v12;
	_ =	sdelay $0x1  }
0xb7: {  	v30 =	vmul.f32 v15, v3;
	v12 =	vadd.f32 v29, v12;
	_ =	sdelay $0x1  }
0xb8: {  	v12 =	vadd.f32 v30, v12;
	_ =	sdelay $0x1  }
0xb9: {  	(xrf2) =	vadd.scan.msk.f32 $0xffff, v12;
	_ =	sdelay $0x1  }
0xba: {  	s29 =	sadd.s32 $0xFFFFFFF5, s0  }
0xbb: {  	v31 =	vmov s29  }
0xbc: {  	v12 =	vand.u32 $0xFFFFFFFC, v31  }
0xbd: {  	v12 =	vbroadcast v12, $0x0;
	_ =	sdelay $0x4  }
0xbe: {  	v32, _, _ =	vpop (xrf2)  }
0xbf: {  	[tilespmem:v12+s26+$0x0] =	vst.idx.msk vm0, v32  }
0xc0: {  	v13 =	vld [tilespmem:s4+$0xFFFFFD40]  }
0xc1: {  	v33 =	vld [tilespmem:s4+$0xFFFFFD50];
	_ =	sdelay $0x1  }
0xc2: {  	v34 =	vld [tilespmem:s4+$0xFFFFFD60];
	_ =	sdelay $0x1  }
0xc3: {  	v16 =	vld [tilespmem:s4+$0xFFFFFD70]  }
0xc4: {  	v13 =	vmul.f32 v13, v0;
	v14 =	vmul.f32 v33, v1;
	_ =	sdelay $0x1  }
0xc5: {  	v35 =	vmul.f32 v34, v2;
	v13 =	vadd.f32 v14, v13;
	_ =	sdelay $0x1  }
0xc6: {  	v36 =	vmul.f32 v16, v3;
	v13 =	vadd.f32 v35, v13;
	_ =	sdelay $0x1  }
0xc7: {  	v13 =	vadd.f32 v36, v13;
	_ =	sdelay $0x1  }
0xc8: {  	(xrf2) =	vadd.scan.msk.f32 $0xffff, v13;
	_ =	sdelay $0x1  }
0xc9: {  	s29 =	sadd.s32 $0xFFFFFFF6, s0  }
0xca: {  	v37 =	vmov s29  }
0xcb: {  	v13 =	vand.u32 $0xFFFFFFFD, v37  }
0xcc: {  	v13 =	vbroadcast v13, $0x0;
	_ =	sdelay $0x4  }
0xcd: {  	v38, _, _ =	vpop (xrf2)  }
0xce: {  	[tilespmem:v13+s26+$0x0] =	vst.idx.msk vm0, v38  }
0xcf: {  	v14 =	vld [tilespmem:s4+$0xFFFFFD80]  }
0xd0: {  	v39 =	vld [tilespmem:s4+$0xFFFFFD90];
	_ =	sdelay $0x1  }
0xd1: {  	v40 =	vld [tilespmem:s4+$0xFFFFFDA0];
	_ =	sdelay $0x1  }
0xd2: {  	v17 =	vld [tilespmem:s4+$0xFFFFFDB0]  }
0xd3: {  	v14 =	vmul.f32 v14, v0;
	v15 =	vmul.f32 v39, v1;
	_ =	sdelay $0x1  }
0xd4: {  	v41 =	vmul.f32 v40, v2;
	v14 =	vadd.f32 v15, v14;
	_ =	sdelay $0x1  }
0xd5: {  	v42 =	vmul.f32 v17, v3;
	v14 =	vadd.f32 v41, v14;
	_ =	sdelay $0x1  }
0xd6: {  	v14 =	vadd.f32 v42, v14;
	_ =	sdelay $0x1  }
0xd7: {  	(xrf2) =	vadd.scan.msk.f32 $0xffff, v14;
	_ =	sdelay $0x1  }
0xd8: {  	s29 =	sadd.s32 $0xFFFFFFF7, s0  }
0xd9: {  	v43 =	vmov s29  }
0xda: {  	v14 =	vand.u32 $0xFFFFFFFE, v43  }
0xdb: {  	v14 =	vbroadcast v14, $0x0;
	_ =	sdelay $0x4  }
0xdc: {  	v44, _, _ =	vpop (xrf2)  }
0xdd: {  	[tilespmem:v14+s26+$0x0] =	vst.idx.msk vm0, v44  }
0xde: {  	v15 =	vld [tilespmem:s4+$0xFFFFFDC0]  }
0xdf: {  	v45 =	vld [tilespmem:s4+$0xFFFFFDD0];
	_ =	sdelay $0x1  }
0xe0: {  	v46 =	vld [tilespmem:s4+$0xFFFFFDE0];
	_ =	sdelay $0x1  }
0xe1: {  	v18 =	vld [tilespmem:s4+$0xFFFFFDF0]  }
0xe2: {  	v15 =	vmul.f32 v15, v0;
	v16 =	vmul.f32 v45, v1;
	_ =	sdelay $0x1  }
0xe3: {  	v47 =	vmul.f32 v46, v2;
	v15 =	vadd.f32 v16, v15;
	_ =	sdelay $0x1  }
0xe4: {  	v48 =	vmul.f32 v18, v3;
	v15 =	vadd.f32 v47, v15;
	_ =	sdelay $0x1  }
0xe5: {  	v15 =	vadd.f32 v48, v15;
	_ =	sdelay $0x1  }
0xe6: {  	(xrf2) =	vadd.scan.msk.f32 $0xffff, v15;
	_ =	sdelay $0x4  }
0xe7: {  	s29 =	sadd.s32 $0xFFFFFFF8, s0  }
0xe8: {  	v15 =	vmov s29;
	_ =	sdelay $0x3  }
0xe9: {  	v49, _, _ =	vpop (xrf2)  }
0xea: {  	[tilespmem:v15+s26+$0x0] =	vst.idx.msk vm0, v49  }
0xeb: {  	v16 =	vld [tilespmem:s4+$0xFFFFFE00]  }
0xec: {  	v50 =	vld [tilespmem:s4+$0xFFFFFE10];
	_ =	sdelay $0x1  }
0xed: {  	v51 =	vld [tilespmem:s4+$0xFFFFFE20];
	_ =	sdelay $0x1  }
0xee: {  	v19 =	vld [tilespmem:s4+$0xFFFFFE30]  }
0xef: {  	v16 =	vmul.f32 v16, v0;
	v17 =	vmul.f32 v50, v1;
	_ =	sdelay $0x1  }
0xf0: {  	v52 =	vmul.f32 v51, v2;
	v16 =	vadd.f32 v17, v16;
	_ =	sdelay $0x1  }
0xf1: {  	v53 =	vmul.f32 v19, v3;
	v16 =	vadd.f32 v52, v16;
	_ =	sdelay $0x1  }
0xf2: {  	v16 =	vadd.f32 v53, v16;
	_ =	sdelay $0x1  }
0xf3: {  	(xrf2) =	vadd.scan.msk.f32 $0xffff, v16;
	_ =	sdelay $0x1  }
0xf4: {  	s29 =	sadd.s32 $0xFFFFFFF9, s0  }
0xf5: {  	v54 =	vmov s29  }
0xf6: {  	v16 =	vand.u32 $0xFFFFFFFC, v54  }
0xf7: {  	v16 =	vbroadcast v16, $0x0;
	_ =	sdelay $0x4  }
0xf8: {  	v55, _, _ =	vpop (xrf2)  }
0xf9: {  	[tilespmem:v16+s26+$0x0] =	vst.idx.msk vm0, v55  }
0xfa: {  	v17 =	vld [tilespmem:s4+$0xFFFFFE40]  }
0xfb: {  	v56 =	vld [tilespmem:s4+$0xFFFFFE50];
	_ =	sdelay $0x1  }
0xfc: {  	v57 =	vld [tilespmem:s4+$0xFFFFFE60];
	_ =	sdelay $0x1  }
0xfd: {  	v20 =	vld [tilespmem:s4+$0xFFFFFE70]  }
0xfe: {  	v17 =	vmul.f32 v17, v0;
	v18 =	vmul.f32 v56, v1;
	_ =	sdelay $0x1  }
0xff: {  	v58 =	vmul.f32 v57, v2;
	v17 =	vadd.f32 v18, v17;
	_ =	sdelay $0x1  }
0x100: {  	v59 =	vmul.f32 v20, v3;
	v17 =	vadd.f32 v58, v17;
	_ =	sdelay $0x1  }
0x101: {  	v17 =	vadd.f32 v59, v17;
	_ =	sdelay $0x1  }
0x102: {  	(xrf2) =	vadd.scan.msk.f32 $0xffff, v17;
	_ =	sdelay $0x1  }
0x103: {  	s29 =	sadd.s32 $0xFFFFFFFA, s0  }
0x104: {  	v60 =	vmov s29  }
0x105: {  	v17 =	vand.u32 $0xFFFFFFFD, v60  }
0x106: {  	v17 =	vbroadcast v17, $0x0;
	_ =	sdelay $0x4  }
0x107: {  	v61, _, _ =	vpop (xrf2)  }
0x108: {  	[tilespmem:v17+s26+$0x0] =	vst.idx.msk vm0, v61  }
0x109: {  	v18 =	vld [tilespmem:s4+$0xFFFFFE80]  }
0x10a: {  	v62 =	vld [tilespmem:s4+$0xFFFFFE90];
	_ =	sdelay $0x1  }
0x10b: {  	v63 =	vld [tilespmem:s4+$0xFFFFFEA0];
	_ =	sdelay $0x1  }
0x10c: {  	v21 =	vld [tilespmem:s4+$0xFFFFFEB0]  }
0x10d: {  	v18 =	vmul.f32 v18, v0;
	v19 =	vmul.f32 v62, v1;
	_ =	sdelay $0x1  }
0x10e: {  	v22 =	vmul.f32 v63, v2;
	v18 =	vadd.f32 v19, v18;
	_ =	sdelay $0x1  }
0x10f: {  	v23 =	vmul.f32 v21, v3;
	v18 =	vadd.f32 v22, v18;
	_ =	sdelay $0x1  }
0x110: {  	v18 =	vadd.f32 v23, v18;
	_ =	sdelay $0x1  }
0x111: {  	(xrf2) =	vadd.scan.msk.f32 $0xffff, v18;
	_ =	sdelay $0x1  }
0x112: {  	s29 =	sadd.s32 $0xFFFFFFFB, s0  }
0x113: {  	v24 =	vmov s29  }
0x114: {  	v18 =	vand.u32 $0xFFFFFFFE, v24  }
0x115: {  	v18 =	vbroadcast v18, $0x0;
	_ =	sdelay $0x4  }
0x116: {  	v25, _, _ =	vpop (xrf2)  }
0x117: {  	[tilespmem:v18+s26+$0x0] =	vst.idx.msk vm0, v25  }
0x118: {  	v19 =	vld [tilespmem:s4+$0xFFFFFEC0]  }
0x119: {  	v26 =	vld [tilespmem:s4+$0xFFFFFED0];
	_ =	sdelay $0x1  }
0x11a: {  	v27 =	vld [tilespmem:s4+$0xFFFFFEE0];
	_ =	sdelay $0x1  }
0x11b: {  	v22 =	vld [tilespmem:s4+$0xFFFFFEF0]  }
0x11c: {  	v19 =	vmul.f32 v19, v0;
	v20 =	vmul.f32 v26, v1;
	_ =	sdelay $0x1  }
0x11d: {  	v28 =	vmul.f32 v27, v2;
	v19 =	vadd.f32 v20, v19;
	_ =	sdelay $0x1  }
0x11e: {  	v29 =	vmul.f32 v22, v3;
	v19 =	vadd.f32 v28, v19;
	_ =	sdelay $0x1  }
0x11f: {  	v19 =	vadd.f32 v29, v19;
	_ =	sdelay $0x1  }
0x120: {  	(xrf2) =	vadd.scan.msk.f32 $0xffff, v19;
	_ =	sdelay $0x4  }
0x121: {  	s29 =	sadd.s32 $0xFFFFFFFC, s0  }
0x122: {  	v19 =	vmov s29;
	_ =	sdelay $0x3  }
0x123: {  	v30, _, _ =	vpop (xrf2)  }
0x124: {  	[tilespmem:v19+s26+$0x0] =	vst.idx.msk vm0, v30  }
0x125: {  	v20 =	vld [tilespmem:s4+$0xFFFFFF00]  }
0x126: {  	v31 =	vld [tilespmem:s4+$0xFFFFFF10];
	_ =	sdelay $0x1  }
0x127: {  	v32 =	vld [tilespmem:s4+$0xFFFFFF20];
	_ =	sdelay $0x1  }
0x128: {  	v23 =	vld [tilespmem:s4+$0xFFFFFF30]  }
0x129: {  	v20 =	vmul.f32 v20, v0;
	v21 =	vmul.f32 v31, v1;
	_ =	sdelay $0x1  }
0x12a: {  	v33 =	vmul.f32 v32, v2;
	v20 =	vadd.f32 v21, v20;
	_ =	sdelay $0x1  }
0x12b: {  	v34 =	vmul.f32 v23, v3;
	v20 =	vadd.f32 v33, v20;
	_ =	sdelay $0x1  }
0x12c: {  	v20 =	vadd.f32 v34, v20;
	_ =	sdelay $0x1  }
0x12d: {  	(xrf2) =	vadd.scan.msk.f32 $0xffff, v20;
	_ =	sdelay $0x1  }
0x12e: {  	s29 =	sadd.s32 $0xFFFFFFFD, s0  }
0x12f: {  	v35 =	vmov s29  }
0x130: {  	v20 =	vand.u32 $0xFFFFFFFC, v35  }
0x131: {  	v20 =	vbroadcast v20, $0x0;
	_ =	sdelay $0x4  }
0x132: {  	v36, _, _ =	vpop (xrf2)  }
0x133: {  	[tilespmem:v20+s26+$0x0] =	vst.idx.msk vm0, v36  }
0x134: {  	v21 =	vld [tilespmem:s4+$0xFFFFFF40]  }
0x135: {  	v37 =	vld [tilespmem:s4+$0xFFFFFF50];
	_ =	sdelay $0x1  }
0x136: {  	v38 =	vld [tilespmem:s4+$0xFFFFFF60];
	_ =	sdelay $0x1  }
0x137: {  	v24 =	vld [tilespmem:s4+$0xFFFFFF70]  }
0x138: {  	v21 =	vmul.f32 v21, v0;
	v22 =	vmul.f32 v37, v1;
	_ =	sdelay $0x1  }
0x139: {  	v39 =	vmul.f32 v38, v2;
	v21 =	vadd.f32 v22, v21;
	_ =	sdelay $0x1  }
0x13a: {  	v40 =	vmul.f32 v24, v3;
	v21 =	vadd.f32 v39, v21;
	_ =	sdelay $0x1  }
0x13b: {  	v21 =	vadd.f32 v40, v21;
	_ =	sdelay $0x1  }
0x13c: {  	(xrf2) =	vadd.scan.msk.f32 $0xffff, v21;
	_ =	sdelay $0x1  }
0x13d: {  	s29 =	sadd.s32 $0xFFFFFFFE, s0  }
0x13e: {  	v41 =	vmov s29  }
0x13f: {  	v21 =	vand.u32 $0xFFFFFFFD, v41  }
0x140: {  	v21 =	vbroadcast v21, $0x0;
	_ =	sdelay $0x4  }
0x141: {  	v42, _, _ =	vpop (xrf2)  }
0x142: {  	[tilespmem:v21+s26+$0x0] =	vst.idx.msk vm0, v42  }
0x143: {  	v22 =	vld [tilespmem:s4+$0xFFFFFF80]  }
0x144: {  	v43 =	vld [tilespmem:s4+$0xFFFFFF90];
	_ =	sdelay $0x1  }
0x145: {  	v44 =	vld [tilespmem:s4+$0xFFFFFFA0];
	_ =	sdelay $0x1  }
0x146: {  	v25 =	vld [tilespmem:s4+$0xFFFFFFB0]  }
0x147: {  	v22 =	vmul.f32 v22, v0;
	v23 =	vmul.f32 v43, v1;
	_ =	sdelay $0x1  }
0x148: {  	v45 =	vmul.f32 v44, v2;
	v22 =	vadd.f32 v23, v22;
	_ =	sdelay $0x1  }
0x149: {  	v46 =	vmul.f32 v25, v3;
	v22 =	vadd.f32 v45, v22;
	_ =	sdelay $0x1  }
0x14a: {  	v22 =	vadd.f32 v46, v22;
	_ =	sdelay $0x1  }
0x14b: {  	(xrf2) =	vadd.scan.msk.f32 $0xffff, v22;
	_ =	sdelay $0x1  }
0x14c: {  	s29 =	sadd.s32 $0xFFFFFFFF, s0  }
0x14d: {  	v47 =	vmov s29  }
0x14e: {  	v22 =	vand.u32 $0xFFFFFFFE, v47  }
0x14f: {  	v22 =	vbroadcast v22, $0x0;
	_ =	sdelay $0x4  }
0x150: {  	v48, _, _ =	vpop (xrf2)  }
0x151: {  	[tilespmem:v22+s26+$0x0] =	vst.idx.msk vm0, v48  }
0x152: {  	v23 =	vld [tilespmem:s4+$0xFFFFFFC0]  }
0x153: {  	v49 =	vld [tilespmem:s4+$0xFFFFFFD0];
	_ =	sdelay $0x1  }
0x154: {  	v50 =	vld [tilespmem:s4+$0xFFFFFFE0];
	_ =	sdelay $0x1  }
0x155: {  	v26 =	vld [tilespmem:s4+$0xFFFFFFF0]  }
0x156: {  	v23 =	vmul.f32 v23, v0;
	v24 =	vmul.f32 v49, v1;
	_ =	sdelay $0x1  }
0x157: {  	v51 =	vmul.f32 v50, v2;
	v23 =	vadd.f32 v24, v23;
	_ =	sdelay $0x1  }
0x158: {  	v52 =	vmul.f32 v26, v3;
	v23 =	vadd.f32 v51, v23;
	_ =	sdelay $0x1  }
0x159: {  	v23 =	vadd.f32 v52, v23;
	_ =	sdelay $0x1  }
0x15a: {  	(xrf2) =	vadd.scan.msk.f32 $0xffff, v23;
	_ =	sdelay $0x5  }
0x15b: {  	v23 =	vmov s0;
	_ =	sdelay $0x3  }
0x15c: {  	v53, _, _ =	vpop (xrf2)  }
0x15d: {  	[tilespmem:v23+s26+$0x0] =	vst.idx.msk vm0, v53  }
0x15e: {  	v24 =	vld [tilespmem:s4+$0x0]  }
0x15f: {  	v54 =	vld [tilespmem:s4+$0x10];
	_ =	sdelay $0x1  }
0x160: {  	v55 =	vld [tilespmem:s4+$0x20];
	_ =	sdelay $0x1  }
0x161: {  	v27 =	vld [tilespmem:s4+$0x30]  }
0x162: {  	v24 =	vmul.f32 v24, v0;
	v25 =	vmul.f32 v54, v1;
	_ =	sdelay $0x1  }
0x163: {  	v56 =	vmul.f32 v55, v2;
	v24 =	vadd.f32 v25, v24;
	_ =	sdelay $0x1  }
0x164: {  	v57 =	vmul.f32 v27, v3;
	v24 =	vadd.f32 v56, v24;
	_ =	sdelay $0x1  }
0x165: {  	v24 =	vadd.f32 v57, v24;
	_ =	sdelay $0x1  }
0x166: {  	(xrf2) =	vadd.scan.msk.f32 $0xffff, v24;
	_ =	sdelay $0x9  }
0x167: {  	v24, _, _ =	vpop (xrf2)  }
0x168: {  	[tilespmem:v4+s28+$0x0] =	vst.idx.msk vm0, v24  }
0x169: {  	v4 =	vld [tilespmem:s4+$0x40]  }
0x16a: {  	v24 =	vld [tilespmem:s4+$0x50];
	_ =	sdelay $0x1  }
0x16b: {  	v58 =	vld [tilespmem:s4+$0x60];
	_ =	sdelay $0x1  }
0x16c: {  	v59 =	vld [tilespmem:s4+$0x70]  }
0x16d: {  	v4 =	vmul.f32 v4, v0;
	v24 =	vmul.f32 v24, v1;
	_ =	sdelay $0x1  }
0x16e: {  	v60 =	vmul.f32 v58, v2;
	v4 =	vadd.f32 v24, v4;
	_ =	sdelay $0x1  }
0x16f: {  	v61 =	vmul.f32 v59, v3;
	v4 =	vadd.f32 v60, v4;
	_ =	sdelay $0x1  }
0x170: {  	v4 =	vadd.f32 v61, v4;
	_ =	sdelay $0x1  }
0x171: {  	(xrf2) =	vadd.scan.msk.f32 $0xffff, v4;
	_ =	sdelay $0x9  }
0x172: {  	v4, _, _ =	vpop (xrf2)  }
0x173: {  	[tilespmem:v5+s28+$0x0] =	vst.idx.msk vm0, v4  }
0x174: {  	v4 =	vld [tilespmem:s4+$0x80]  }
0x175: {  	v5 =	vld [tilespmem:s4+$0x90];
	_ =	sdelay $0x1  }
0x176: {  	v62 =	vld [tilespmem:s4+$0xA0];
	_ =	sdelay $0x1  }
0x177: {  	v63 =	vld [tilespmem:s4+$0xB0]  }
0x178: {  	v4 =	vmul.f32 v4, v0;
	v5 =	vmul.f32 v5, v1;
	_ =	sdelay $0x1  }
0x179: {  	v26 =	vmul.f32 v62, v2;
	v4 =	vadd.f32 v5, v4;
	_ =	sdelay $0x1  }
0x17a: {  	v27 =	vmul.f32 v63, v3;
	v4 =	vadd.f32 v26, v4;
	_ =	sdelay $0x1  }
0x17b: {  	v4 =	vadd.f32 v27, v4;
	_ =	sdelay $0x1  }
0x17c: {  	(xrf2) =	vadd.scan.msk.f32 $0xffff, v4;
	_ =	sdelay $0x9  }
0x17d: {  	v4, _, _ =	vpop (xrf2)  }
0x17e: {  	[tilespmem:v6+s28+$0x0] =	vst.idx.msk vm0, v4  }
0x17f: {  	v4 =	vld [tilespmem:s4+$0xC0]  }
0x180: {  	v28 =	vld [tilespmem:s4+$0xD0];
	_ =	sdelay $0x1  }
0x181: {  	v6 =	vld [tilespmem:s4+$0xE0];
	_ =	sdelay $0x1  }
0x182: {  	v29 =	vld [tilespmem:s4+$0xF0]  }
0x183: {  	v4 =	vmul.f32 v4, v0;
	v5 =	vmul.f32 v28, v1;
	_ =	sdelay $0x1  }
0x184: {  	v30 =	vmul.f32 v6, v2;
	v4 =	vadd.f32 v5, v4;
	_ =	sdelay $0x1  }
0x185: {  	v31 =	vmul.f32 v29, v3;
	v4 =	vadd.f32 v30, v4;
	_ =	sdelay $0x1  }
0x186: {  	v4 =	vadd.f32 v31, v4;
	_ =	sdelay $0x1  }
0x187: {  	(xrf2) =	vadd.scan.msk.f32 $0xffff, v4;
	_ =	sdelay $0x9  }
0x188: {  	v4, _, _ =	vpop (xrf2)  }
0x189: {  	[tilespmem:v7+s28+$0x0] =	vst.idx.msk vm0, v4  }
0x18a: {  	v4 =	vld [tilespmem:s4+$0x100]  }
0x18b: {  	v32 =	vld [tilespmem:s4+$0x110];
	_ =	sdelay $0x1  }
0x18c: {  	v33 =	vld [tilespmem:s4+$0x120];
	_ =	sdelay $0x1  }
0x18d: {  	v7 =	vld [tilespmem:s4+$0x130]  }
0x18e: {  	v4 =	vmul.f32 v4, v0;
	v5 =	vmul.f32 v32, v1;
	_ =	sdelay $0x1  }
0x18f: {  	v34 =	vmul.f32 v33, v2;
	v4 =	vadd.f32 v5, v4;
	_ =	sdelay $0x1  }
0x190: {  	v35 =	vmul.f32 v7, v3;
	v4 =	vadd.f32 v34, v4;
	_ =	sdelay $0x1  }
0x191: {  	v4 =	vadd.f32 v35, v4;
	_ =	sdelay $0x1  }
0x192: {  	(xrf2) =	vadd.scan.msk.f32 $0xffff, v4;
	_ =	sdelay $0x9  }
0x193: {  	v4, _, _ =	vpop (xrf2)  }
0x194: {  	[tilespmem:v8+s28+$0x0] =	vst.idx.msk vm0, v4  }
0x195: {  	v4 =	vld [tilespmem:s4+$0x140]  }
0x196: {  	v36 =	vld [tilespmem:s4+$0x150];
	_ =	sdelay $0x1  }
0x197: {  	v37 =	vld [tilespmem:s4+$0x160];
	_ =	sdelay $0x1  }
0x198: {  	v38 =	vld [tilespmem:s4+$0x170]  }
0x199: {  	v4 =	vmul.f32 v4, v0;
	v5 =	vmul.f32 v36, v1;
	_ =	sdelay $0x1  }
0x19a: {  	v39 =	vmul.f32 v37, v2;
	v4 =	vadd.f32 v5, v4;
	_ =	sdelay $0x1  }
0x19b: {  	v40 =	vmul.f32 v38, v3;
	v4 =	vadd.f32 v39, v4;
	_ =	sdelay $0x1  }
0x19c: {  	v4 =	vadd.f32 v40, v4;
	_ =	sdelay $0x1  }
0x19d: {  	(xrf2) =	vadd.scan.msk.f32 $0xffff, v4;
	_ =	sdelay $0x9  }
0x19e: {  	v4, _, _ =	vpop (xrf2)  }
0x19f: {  	[tilespmem:v9+s28+$0x0] =	vst.idx.msk vm0, v4  }
0x1a0: {  	v4 =	vld [tilespmem:s4+$0x180]  }
0x1a1: {  	v41 =	vld [tilespmem:s4+$0x190];
	_ =	sdelay $0x1  }
0x1a2: {  	v42 =	vld [tilespmem:s4+$0x1A0];
	_ =	sdelay $0x1  }
0x1a3: {  	v43 =	vld [tilespmem:s4+$0x1B0]  }
0x1a4: {  	v4 =	vmul.f32 v4, v0;
	v5 =	vmul.f32 v41, v1;
	_ =	sdelay $0x1  }
0x1a5: {  	v44 =	vmul.f32 v42, v2;
	v4 =	vadd.f32 v5, v4;
	_ =	sdelay $0x1  }
0x1a6: {  	v45 =	vmul.f32 v43, v3;
	v4 =	vadd.f32 v44, v4;
	_ =	sdelay $0x1  }
0x1a7: {  	v4 =	vadd.f32 v45, v4;
	_ =	sdelay $0x1  }
0x1a8: {  	(xrf2) =	vadd.scan.msk.f32 $0xffff, v4;
	_ =	sdelay $0x9  }
0x1a9: {  	v4, _, _ =	vpop (xrf2)  }
0x1aa: {  	[tilespmem:v10+s28+$0x0] =	vst.idx.msk vm0, v4  }
0x1ab: {  	v4 =	vld [tilespmem:s4+$0x1C0]  }
0x1ac: {  	v46 =	vld [tilespmem:s4+$0x1D0];
	_ =	sdelay $0x1  }
0x1ad: {  	v47 =	vld [tilespmem:s4+$0x1E0];
	_ =	sdelay $0x1  }
0x1ae: {  	v48 =	vld [tilespmem:s4+$0x1F0]  }
0x1af: {  	v4 =	vmul.f32 v4, v0;
	v5 =	vmul.f32 v46, v1;
	_ =	sdelay $0x1  }
0x1b0: {  	v49 =	vmul.f32 v47, v2;
	v4 =	vadd.f32 v5, v4;
	_ =	sdelay $0x1  }
0x1b1: {  	v50 =	vmul.f32 v48, v3;
	v4 =	vadd.f32 v49, v4;
	_ =	sdelay $0x1  }
0x1b2: {  	v4 =	vadd.f32 v50, v4;
	_ =	sdelay $0x1  }
0x1b3: {  	(xrf2) =	vadd.scan.msk.f32 $0xffff, v4;
	_ =	sdelay $0x9  }
0x1b4: {  	v4, _, _ =	vpop (xrf2)  }
0x1b5: {  	[tilespmem:v11+s28+$0x0] =	vst.idx.msk vm0, v4  }
0x1b6: {  	v4 =	vld [tilespmem:s4+$0x200]  }
0x1b7: {  	v51 =	vld [tilespmem:s4+$0x210];
	_ =	sdelay $0x1  }
0x1b8: {  	v52 =	vld [tilespmem:s4+$0x220];
	_ =	sdelay $0x1  }
0x1b9: {  	v53 =	vld [tilespmem:s4+$0x230]  }
0x1ba: {  	v4 =	vmul.f32 v4, v0;
	v5 =	vmul.f32 v51, v1;
	_ =	sdelay $0x1  }
0x1bb: {  	v54 =	vmul.f32 v52, v2;
	v4 =	vadd.f32 v5, v4;
	_ =	sdelay $0x1  }
0x1bc: {  	v55 =	vmul.f32 v53, v3;
	v4 =	vadd.f32 v54, v4;
	_ =	sdelay $0x1  }
0x1bd: {  	v4 =	vadd.f32 v55, v4;
	_ =	sdelay $0x1  }
0x1be: {  	(xrf2) =	vadd.scan.msk.f32 $0xffff, v4;
	_ =	sdelay $0x9  }
0x1bf: {  	v4, _, _ =	vpop (xrf2)  }
0x1c0: {  	[tilespmem:v12+s28+$0x0] =	vst.idx.msk vm0, v4  }
0x1c1: {  	v4 =	vld [tilespmem:s4+$0x240]  }
0x1c2: {  	v56 =	vld [tilespmem:s4+$0x250];
	_ =	sdelay $0x1  }
0x1c3: {  	v57 =	vld [tilespmem:s4+$0x260];
	_ =	sdelay $0x1  }
0x1c4: {  	v58 =	vld [tilespmem:s4+$0x270]  }
0x1c5: {  	v4 =	vmul.f32 v4, v0;
	v5 =	vmul.f32 v56, v1;
	_ =	sdelay $0x1  }
0x1c6: {  	v59 =	vmul.f32 v57, v2;
	v4 =	vadd.f32 v5, v4;
	_ =	sdelay $0x1  }
0x1c7: {  	v60 =	vmul.f32 v58, v3;
	v4 =	vadd.f32 v59, v4;
	_ =	sdelay $0x1  }
0x1c8: {  	v4 =	vadd.f32 v60, v4;
	_ =	sdelay $0x1  }
0x1c9: {  	(xrf2) =	vadd.scan.msk.f32 $0xffff, v4;
	_ =	sdelay $0x9  }
0x1ca: {  	v4, _, _ =	vpop (xrf2)  }
0x1cb: {  	[tilespmem:v13+s28+$0x0] =	vst.idx.msk vm0, v4  }
0x1cc: {  	v4 =	vld [tilespmem:s4+$0x280]  }
0x1cd: {  	v61 =	vld [tilespmem:s4+$0x290];
	_ =	sdelay $0x1  }
0x1ce: {  	v62 =	vld [tilespmem:s4+$0x2A0];
	_ =	sdelay $0x1  }
0x1cf: {  	v63 =	vld [tilespmem:s4+$0x2B0]  }
0x1d0: {  	v4 =	vmul.f32 v4, v0;
	v5 =	vmul.f32 v61, v1;
	_ =	sdelay $0x1  }
0x1d1: {  	v8 =	vmul.f32 v62, v2;
	v4 =	vadd.f32 v5, v4;
	_ =	sdelay $0x1  }
0x1d2: {  	v9 =	vmul.f32 v63, v3;
	v4 =	vadd.f32 v8, v4;
	_ =	sdelay $0x1  }
0x1d3: {  	v4 =	vadd.f32 v9, v4;
	_ =	sdelay $0x1  }
0x1d4: {  	(xrf2) =	vadd.scan.msk.f32 $0xffff, v4;
	_ =	sdelay $0x9  }
0x1d5: {  	v4, _, _ =	vpop (xrf2)  }
0x1d6: {  	[tilespmem:v14+s28+$0x0] =	vst.idx.msk vm0, v4  }
0x1d7: {  	v4 =	vld [tilespmem:s4+$0x2C0]  }
0x1d8: {  	v10 =	vld [tilespmem:s4+$0x2D0];
	_ =	sdelay $0x1  }
0x1d9: {  	v11 =	vld [tilespmem:s4+$0x2E0];
	_ =	sdelay $0x1  }
0x1da: {  	v12 =	vld [tilespmem:s4+$0x2F0]  }
0x1db: {  	v4 =	vmul.f32 v4, v0;
	v5 =	vmul.f32 v10, v1;
	_ =	sdelay $0x1  }
0x1dc: {  	v13 =	vmul.f32 v11, v2;
	v4 =	vadd.f32 v5, v4;
	_ =	sdelay $0x1  }
0x1dd: {  	v14 =	vmul.f32 v12, v3;
	v4 =	vadd.f32 v13, v4;
	_ =	sdelay $0x1  }
0x1de: {  	v4 =	vadd.f32 v14, v4;
	_ =	sdelay $0x1  }
0x1df: {  	(xrf2) =	vadd.scan.msk.f32 $0xffff, v4;
	_ =	sdelay $0x9  }
0x1e0: {  	v4, _, _ =	vpop (xrf2)  }
0x1e1: {  	[tilespmem:v15+s28+$0x0] =	vst.idx.msk vm0, v4  }
0x1e2: {  	v4 =	vld [tilespmem:s4+$0x300]  }
0x1e3: {  	v24 =	vld [tilespmem:s4+$0x310];
	_ =	sdelay $0x1  }
0x1e4: {  	v25 =	vld [tilespmem:s4+$0x320];
	_ =	sdelay $0x1  }
0x1e5: {  	v26 =	vld [tilespmem:s4+$0x330]  }
0x1e6: {  	v4 =	vmul.f32 v4, v0;
	v5 =	vmul.f32 v24, v1;
	_ =	sdelay $0x1  }
0x1e7: {  	v27 =	vmul.f32 v25, v2;
	v4 =	vadd.f32 v5, v4;
	_ =	sdelay $0x1  }
0x1e8: {  	v28 =	vmul.f32 v26, v3;
	v4 =	vadd.f32 v27, v4;
	_ =	sdelay $0x1  }
0x1e9: {  	v4 =	vadd.f32 v28, v4;
	_ =	sdelay $0x1  }
0x1ea: {  	(xrf2) =	vadd.scan.msk.f32 $0xffff, v4;
	_ =	sdelay $0x9  }
0x1eb: {  	v4, _, _ =	vpop (xrf2)  }
0x1ec: {  	[tilespmem:v16+s28+$0x0] =	vst.idx.msk vm0, v4  }
0x1ed: {  	v4 =	vld [tilespmem:s4+$0x340]  }
0x1ee: {  	v29 =	vld [tilespmem:s4+$0x350];
	_ =	sdelay $0x1  }
0x1ef: {  	v30 =	vld [tilespmem:s4+$0x360];
	_ =	sdelay $0x1  }
0x1f0: {  	v31 =	vld [tilespmem:s4+$0x370]  }
0x1f1: {  	v4 =	vmul.f32 v4, v0;
	v5 =	vmul.f32 v29, v1;
	_ =	sdelay $0x1  }
0x1f2: {  	v32 =	vmul.f32 v30, v2;
	v4 =	vadd.f32 v5, v4;
	_ =	sdelay $0x1  }
0x1f3: {  	v33 =	vmul.f32 v31, v3;
	v4 =	vadd.f32 v32, v4;
	_ =	sdelay $0x1  }
0x1f4: {  	v4 =	vadd.f32 v33, v4;
	_ =	sdelay $0x1  }
0x1f5: {  	(xrf2) =	vadd.scan.msk.f32 $0xffff, v4;
	_ =	sdelay $0x9  }
0x1f6: {  	v4, _, _ =	vpop (xrf2)  }
0x1f7: {  	[tilespmem:v17+s28+$0x0] =	vst.idx.msk vm0, v4  }
0x1f8: {  	v4 =	vld [tilespmem:s4+$0x380]  }
0x1f9: {  	v34 =	vld [tilespmem:s4+$0x390];
	_ =	sdelay $0x1  }
0x1fa: {  	v35 =	vld [tilespmem:s4+$0x3A0];
	_ =	sdelay $0x1  }
0x1fb: {  	v36 =	vld [tilespmem:s4+$0x3B0]  }
0x1fc: {  	v4 =	vmul.f32 v4, v0;
	v5 =	vmul.f32 v34, v1;
	_ =	sdelay $0x1  }
0x1fd: {  	v37 =	vmul.f32 v35, v2;
	v4 =	vadd.f32 v5, v4;
	_ =	sdelay $0x1  }
0x1fe: {  	v38 =	vmul.f32 v36, v3;
	v4 =	vadd.f32 v37, v4;
	_ =	sdelay $0x1  }
0x1ff: {  	v4 =	vadd.f32 v38, v4;
	_ =	sdelay $0x1  }
0x200: {  	(xrf2) =	vadd.scan.msk.f32 $0xffff, v4;
	_ =	sdelay $0x9  }
0x201: {  	v4, _, _ =	vpop (xrf2)  }
0x202: {  	[tilespmem:v18+s28+$0x0] =	vst.idx.msk vm0, v4  }
0x203: {  	v4 =	vld [tilespmem:s4+$0x3C0]  }
0x204: {  	v39 =	vld [tilespmem:s4+$0x3D0];
	_ =	sdelay $0x1  }
0x205: {  	v40 =	vld [tilespmem:s4+$0x3E0];
	_ =	sdelay $0x1  }
0x206: {  	v41 =	vld [tilespmem:s4+$0x3F0]  }
0x207: {  	v4 =	vmul.f32 v4, v0;
	v5 =	vmul.f32 v39, v1;
	_ =	sdelay $0x1  }
0x208: {  	v42 =	vmul.f32 v40, v2;
	v4 =	vadd.f32 v5, v4;
	_ =	sdelay $0x1  }
0x209: {  	v43 =	vmul.f32 v41, v3;
	v4 =	vadd.f32 v42, v4;
	_ =	sdelay $0x1  }
0x20a: {  	v4 =	vadd.f32 v43, v4;
	_ =	sdelay $0x1  }
0x20b: {  	(xrf2) =	vadd.scan.msk.f32 $0xffff, v4;
	_ =	sdelay $0x9  }
0x20c: {  	v4, _, _ =	vpop (xrf2)  }
0x20d: {  	[tilespmem:v19+s28+$0x0] =	vst.idx.msk vm0, v4  }
0x20e: {  	v4 =	vld [tilespmem:s4+$0x400]  }
0x20f: {  	v44 =	vld [tilespmem:s4+$0x410];
	_ =	sdelay $0x1  }
0x210: {  	v45 =	vld [tilespmem:s4+$0x420];
	_ =	sdelay $0x1  }
0x211: {  	v46 =	vld [tilespmem:s4+$0x430]  }
0x212: {  	v4 =	vmul.f32 v4, v0;
	v5 =	vmul.f32 v44, v1;
	_ =	sdelay $0x1  }
0x213: {  	v47 =	vmul.f32 v45, v2;
	v4 =	vadd.f32 v5, v4;
	_ =	sdelay $0x1  }
0x214: {  	v48 =	vmul.f32 v46, v3;
	v4 =	vadd.f32 v47, v4;
	_ =	sdelay $0x1  }
0x215: {  	v4 =	vadd.f32 v48, v4;
	_ =	sdelay $0x1  }
0x216: {  	(xrf2) =	vadd.scan.msk.f32 $0xffff, v4;
	_ =	sdelay $0x9  }
0x217: {  	v4, _, _ =	vpop (xrf2)  }
0x218: {  	[tilespmem:v20+s28+$0x0] =	vst.idx.msk vm0, v4  }
0x219: {  	v4 =	vld [tilespmem:s4+$0x440]  }
0x21a: {  	v49 =	vld [tilespmem:s4+$0x450];
	_ =	sdelay $0x1  }
0x21b: {  	v50 =	vld [tilespmem:s4+$0x460];
	_ =	sdelay $0x1  }
0x21c: {  	v51 =	vld [tilespmem:s4+$0x470]  }
0x21d: {  	v4 =	vmul.f32 v4, v0;
	v5 =	vmul.f32 v49, v1;
	_ =	sdelay $0x1  }
0x21e: {  	v52 =	vmul.f32 v50, v2;
	v4 =	vadd.f32 v5, v4;
	_ =	sdelay $0x1  }
0x21f: {  	v53 =	vmul.f32 v51, v3;
	v4 =	vadd.f32 v52, v4;
	_ =	sdelay $0x1  }
0x220: {  	v4 =	vadd.f32 v53, v4;
	_ =	sdelay $0x1  }
0x221: {  	(xrf2) =	vadd.scan.msk.f32 $0xffff, v4;
	_ =	sdelay $0x9  }
0x222: {  	v4, _, _ =	vpop (xrf2)  }
0x223: {  	[tilespmem:v21+s28+$0x0] =	vst.idx.msk vm0, v4  }
0x224: {  	v4 =	vld [tilespmem:s4+$0x480]  }
0x225: {  	v54 =	vld [tilespmem:s4+$0x490];
	_ =	sdelay $0x1  }
0x226: {  	v55 =	vld [tilespmem:s4+$0x4A0];
	_ =	sdelay $0x1  }
0x227: {  	v56 =	vld [tilespmem:s4+$0x4B0]  }
0x228: {  	v4 =	vmul.f32 v4, v0;
	v5 =	vmul.f32 v54, v1;
	_ =	sdelay $0x1  }
0x229: {  	v57 =	vmul.f32 v55, v2;
	v4 =	vadd.f32 v5, v4;
	_ =	sdelay $0x1  }
0x22a: {  	v58 =	vmul.f32 v56, v3;
	v4 =	vadd.f32 v57, v4;
	_ =	sdelay $0x1  }
0x22b: {  	v4 =	vadd.f32 v58, v4;
	_ =	sdelay $0x1  }
0x22c: {  	(xrf2) =	vadd.scan.msk.f32 $0xffff, v4;
	_ =	sdelay $0x9  }
0x22d: {  	v4, _, _ =	vpop (xrf2)  }
0x22e: {  	[tilespmem:v22+s28+$0x0] =	vst.idx.msk vm0, v4  }
0x22f: {  	v4 =	vld [tilespmem:s4+$0x4C0]  }
0x230: {  	v59 =	vld [tilespmem:s4+$0x4D0];
	_ =	sdelay $0x1  }
0x231: {  	v60 =	vld [tilespmem:s4+$0x4E0];
	_ =	sdelay $0x1  }
0x232: {  	v61 =	vld [tilespmem:s4+$0x4F0]  }
0x233: {  	v0 =	vmul.f32 v4, v0;
	v1 =	vmul.f32 v59, v1;
	_ =	sdelay $0x1  }
0x234: {  	v62 =	vmul.f32 v60, v2;
	v0 =	vadd.f32 v1, v0;
	_ =	sdelay $0x1  }
0x235: {  	v63 =	vmul.f32 v61, v3;
	v0 =	vadd.f32 v62, v0;
	_ =	sdelay $0x1  }
0x236: {  	v0 =	vadd.f32 v63, v0;
	_ =	sdelay $0x1  }
0x237: {  	(xrf2) =	vadd.scan.msk.f32 $0xffff, v0;
	_ =	sdelay $0x5  }
0x238: {  	p0 =	sne.s32 s0, $0x13F  }
.Ltmp0:
0x239: {  	_ = 	snop;
	(pc) =	sbr.rel @p0 .LBB2_3-.Ltmp0, $3  }
0x23a: {  	_ =	sdelay $0x1  }
0x23b: {  	v0, _, _ =	vpop (xrf2)  }
0x23c: {  	s10 =	sadd.s32 $0x40, s10;
	s0 =	sadd.s32 $0x14, s0;
	s4 =	sadd.s32 $0xA00, s4;
	[tilespmem:v23+s28+$0x0] =	vst.idx.msk vm0, v0  }
0x23d: {  	s0 =	smul.u32 $0x14, s31;
	_ =	sdelay $0x1  }
0x23e: {  	s0 =	sshrl.u32 s0, $0x3  }
0x23f: {  	s4 =	sadd.s32 s7, s0  }
0x240: {  	[hbm4b:s4+s2] =	stream.linear.scatter [tilespmem:s26], [sflag:$0x3], $0x140, $0x38;
	[tilespmem:$0xA910] =	vst v63  }
0x241: {  	s30 =	sadd.s32 $0x1, s30;
	_ =	swait.ge [sflag:s11], $0x140  }
0x242: {  	p0 =	sne.s32 s30, $0x20;
	[sflag:s11] =	ssyncset.done $0x0  }
.Ltmp1:
0x243: {  	s0 =	sadd.s32 s8, s0;
	[sflag:s11] =	ssyncadd.s32 $0xFFFFFEC0;
	(pc) =	sbr.rel @p0 .LBB2_2-.Ltmp1, $4  }
0x244: {  	[hbm4b:s0+s2] =	stream.linear.scatter [tilespmem:s28], [sflag:$0x3], $0x140, $0x38;
	[tilespmem:$0xA910] =	vst v63  }
0x245: {  	_ =	swait.ge [sflag:s11], $0x140  }
0x246: {  	[sflag:s11] =	ssyncset.done $0x0  }
0x247: {  	[sflag:s11] =	ssyncadd.s32 $0xFFFFFEC0  }
0x248: {  	s4 =	rddreg [dreg:$0x4]  }
0x249: {  	s0 =	rddreg [dreg:$0x3];
	s4 =	sadd.s32 $0x1, s4  }
0x24a: {  	p0 =	sne.s32 s4, s0  }
.Ltmp2:
0x24b: {  	_ = 	snop;
	(pc) =	sbr.rel @p0 .LBB2_1-.Ltmp2, $1  }
0x24c: {  	_ =	sdelay $0x3  }
0x24d: {  	_ =	sfence.sel $0x180000  }
0x24e: {  	[bflag:$0x0] =	sbarrier.arrive $0xFFFF  }
0x24f: {  	_ =	strace $0x90000047  }
0x250: {  	s0 =	stileid.u32;
	[bflag:$0x2] =	sbarrier.arrive $0xFFFF  }
0x251: {  	p0 =	sne.s32 s0, $0x0;
	s0 =	rddreg [dreg:$0x2]  }
0x252: {  	s0 =	sadd.s32 @!p0 $0x100000, s0  }
0x253: {  	[sflag:s0] =	ssyncadd.tile.s32 @!p0 $0x1;
	_ =	shalt  }
.Lfunc_end2:
_tile_overlayer_lowered:
.L_overlay_start_2:
0x254: {  	(tag) =	ssettag $0x2  }
0x255: {  	s0 =	rddreg [dreg:$0x0];
	s2 =	stileid.u32  }
0x256: {  	s1 =	rddreg [dreg:$0x1];
	p0 =	sne.s32 s2, $0x0  }
0x257: {  	s3 =	rddreg [dreg:$0x2];
	[bflag:$0x3] =	sbarrier.arrive $0xFFFF;
	s2 =	simm.s32 @!p0 $0x1C03  }
0x258: {  	[timem:s3], [sflag:s2] =	dma.local @!p0 [hbm:s0], s1  }
0x259: {  	s0 =	simm.s32 @!p0 $0x3  }
0x25a: {  	_ =	swait.ge @!p0 [sflag:s0], s1  }
0x25b: {  	s1 =	ssub.s32 @!p0 $0x0, s1;
	[sflag:s0] =	ssyncset.done @!p0 $0x0  }
0x25c: {  	[sflag:s0] =	ssyncadd.s32 @!p0 s1  }
0x25d: {  	[bflag:$0x3] =	sbarrier.arrive $0xFFFF  }
0x25e: {  	_ =	shalt  }

</sc_bundles>
